<compile_context>
chip_gen: v7x
topology: tpu7x:2x2x1
jax: 0.10.2.dev20260603
libtpu: 0.0.44.dev20260713+nightly
codegen_flags: <defaults>
</compile_context>

<pallas_src>
import functools

import jax
import jax.numpy as jnp
from jax import lax
from jax.experimental import pallas as pl
from jax.experimental.pallas import tpu as pltpu
from jax.experimental.pallas import tpu_sc as plsc

N = 10000
E = 320000
D = 128
NC = 2
NS = 16
NW = NC * NS
EPW = E // NW
C = 128
NFULL = EPW // C
TAIL = EPW - NFULL * C
ROWS_MAIN = 632
ROWS_LAST = N - 15 * ROWS_MAIN
BSEARCH_ITERS = 14


def _sc_aggregate(x, rp_pad, col):
    mesh = plsc.VectorSubcoreMesh(core_axis_name="c", subcore_axis_name="s")

    @functools.partial(
        pl.kernel,
        out_type=jax.ShapeDtypeStruct((NC, N, D), jnp.float32),
        mesh=mesh,
        scratch_types=[
            pltpu.VMEM((N + 8,), jnp.int32),
            pltpu.VMEM((2, C), jnp.int32),
            pltpu.VMEM((2, C), jnp.int32),
            pltpu.VMEM((2, C, D), jnp.float32),
            pltpu.VMEM((1, TAIL), jnp.int32),
            pltpu.VMEM((1, TAIL), jnp.int32),
            pltpu.VMEM((TAIL, D), jnp.float32),
            pltpu.VMEM_SHARED((N, D), jnp.float32),
            pltpu.SemaphoreType.DMA,
            pltpu.SemaphoreType.DMA,
            pltpu.SemaphoreType.DMA,
            pltpu.SemaphoreType.DMA,
            pltpu.SemaphoreType.DMA,
            pltpu.SemaphoreType.DMA,
            pltpu.SemaphoreType.DMA,
        ],
        compiler_params=pltpu.CompilerParams(needs_layout_passes=False),
    )
    def agg(x_hbm, rp_hbm, col_hbm, out_hbm,
            rp_v, col_v, rid_v, rows_v, col_t, rid_t, rows_t, xp_sh,
            sem, csem0, csem1, gsem0, gsem1, ssem0, ssem1):
        csem = (csem0, csem1)
        gsem = (gsem0, gsem1)
        ssem = (ssem0, ssem1)
        c = lax.axis_index("c")
        s = lax.axis_index("s")

        wid = c * NS + s
        ebase = wid * EPW
        lane = lax.iota(jnp.int32, 16)
        zero16 = jnp.zeros((16,), jnp.float32)

        def zrow(i, _):
            def zcol(g, _):
                rows_v[0, i, pl.ds(g * 16, 16)] = zero16
                return 0
            lax.fori_loop(0, D // 16, zcol, 0)
            return 0

        lax.fori_loop(0, C, zrow, 0)
        rbase = s * ROWS_MAIN

        @pl.when(s < 15)
        def _zero_main():
            for off, sz in ((0, 128), (128, 128), (256, 128), (384, 128),
                            (512, 120)):
                pltpu.sync_copy(rows_v.at[0, pl.ds(0, sz)],
                                xp_sh.at[pl.ds(rbase + off, sz)])

        @pl.when(s == 15)
        def _zero_last():
            for off, sz in ((0, 128), (128, 128), (256, 128), (384, 128),
                            (512, 8)):
                pltpu.sync_copy(rows_v.at[0, pl.ds(0, sz)],
                                xp_sh.at[pl.ds(rbase + off, sz)])

        pltpu.sync_copy(rp_hbm, rp_v.at[pl.ds(0, N + 1)])
        plsc.subcore_barrier()

        def search16(e):
            lo = jnp.zeros((16,), jnp.int32)
            hi = jnp.full((16,), N + 1, jnp.int32)

            def step(_, lh):
                plo, phi = lh
                mid = (plo + phi) >> 1
                v = plsc.load_gather(rp_v, [mid])
                p = v <= e
                return jnp.where(p, mid, plo), jnp.where(p, phi, mid)

            lo, hi = lax.fori_loop(0, BSEARCH_ITERS, step, (lo, hi))
            return lo

        def fire_col(k, b):
            pltpu.async_copy(col_hbm.at[pl.ds(ebase + k * C, C)],
                             col_v.at[b], csem[b])

        def wait_col(b):
            pltpu.make_async_copy(col_hbm.at[pl.ds(ebase, C)],
                                  col_v.at[b], csem[b]).wait()

        def search_chunk(k, b):
            def grp(g, _):
                e = ebase + k * C + g * 16 + lane
                rid_v[b, pl.ds(g * 16, 16)] = search16(e)
                return 0

            lax.fori_loop(0, C // 16, grp, 0)

        fire_col(0, 0)
        fire_col(1, 1)
        tbase = ebase + NFULL * C
        pltpu.async_copy(col_hbm.at[pl.ds(tbase, TAIL)], col_t.at[0], sem)

        def pair(kk, _):
            for b in range(2):
                k = kk * 2 + b

                @pl.when(kk >= 1)
                def _free_buf(b=b):
                    pltpu.make_async_copy(
                        rows_v.at[b], xp_sh.at[rid_v.at[b]], ssem[b]).wait()

                wait_col(b)
                pltpu.async_copy(x_hbm.at[col_v.at[b]], rows_v.at[b], gsem[b])
                search_chunk(k, b)
                pltpu.make_async_copy(
                    x_hbm.at[col_v.at[b]], rows_v.at[b], gsem[b]).wait()

                @pl.when(k + 2 < NFULL)
                def _prefetch_col(k=k, b=b):
                    fire_col(k + 2, b)

                pltpu.async_copy(
                    rows_v.at[b], xp_sh.at[rid_v.at[b]], ssem[b], add=True)
            return 0

        lax.fori_loop(0, NFULL // 2, pair, 0)
        for b in range(2):
            pltpu.make_async_copy(
                rows_v.at[b], xp_sh.at[rid_v.at[b]], ssem[b]).wait()

        pltpu.make_async_copy(col_hbm.at[pl.ds(tbase, TAIL)], col_t.at[0],
                              sem).wait()
        tail_cp = pltpu.async_copy(x_hbm.at[col_t.at[0]], rows_t, sem)
        rid_t[0, :] = search16(tbase + lane)
        tail_cp.wait()
        pltpu.sync_copy(rows_t, xp_sh.at[rid_t.at[0]], add=True)

        plsc.subcore_barrier()

        @pl.when(s < 15)
        def _write_main():
            pltpu.sync_copy(xp_sh.at[pl.ds(s * ROWS_MAIN, ROWS_MAIN)],
                            out_hbm.at[c, pl.ds(s * ROWS_MAIN, ROWS_MAIN)])

        @pl.when(s == 15)
        def _write_last():
            pltpu.sync_copy(xp_sh.at[pl.ds(15 * ROWS_MAIN, ROWS_LAST)],
                            out_hbm.at[c, pl.ds(15 * ROWS_MAIN, ROWS_LAST)])

    return agg(x, rp_pad, col)


def _tc_transform(partials, weights):
    blk = 2000

    def body(p_ref, w_ref, o_ref):
        acc = p_ref[0] + p_ref[1]
        o_ref[...] = jnp.dot(acc, w_ref[...],
                             preferred_element_type=jnp.float32)

    return pl.pallas_call(
        body,
        grid=(N // blk,),
        in_specs=[
            pl.BlockSpec((2, blk, D), lambda i: (0, i, 0)),
            pl.BlockSpec((D, D), lambda i: (0, 0)),
        ],
        out_specs=pl.BlockSpec((blk, D), lambda i: (i, 0)),
        out_shape=jax.ShapeDtypeStruct((N, D), jnp.float32),
    )(partials, weights)


def kernel(X, row_pointers, column_index, blockPartition, edgeToColumn,
           edgeToRow, hybrid_type, row_nzr, col_nzr, output, weights):
    partials = _sc_aggregate(X, row_pointers, column_index)
    return _tc_transform(partials, weights)

# --- scband reference (transcript-rebuilt; emitter-appended) ---
"""Pipeline reference for scband-ginconv-4861902979731 (READ-ONLY COPY).

The authoritative reference and input builder live on the scoring server;
editing this copy changes nothing except your own understanding.
"""

import jax, jax.numpy as jnp
import numpy as np

N = 10000
E = 320000
D_IN = 128
D_OUT = 128
NBLK = 625


def setup_inputs(seed: int = 0) -> dict:
    key = jax.random.key(seed)
    ks = jax.random.split(key, 10)
    X = jax.random.normal(ks[0], (N, D_IN), dtype=jnp.float32)
    # Valid CSR row pointers: monotonically non-decreasing, rp[0]=0, rp[-1]=E
    inner = jnp.sort(jax.random.randint(ks[1], (N - 1,), 0, E, dtype=jnp.int32))
    row_pointers = jnp.concatenate([
        jnp.zeros((1,), dtype=jnp.int32),
        inner,
        jnp.full((1,), E, dtype=jnp.int32),
    ])
    column_index = jax.random.randint(ks[2], (E,), 0, N, dtype=jnp.int32)
    blockPartition = jax.random.randint(ks[3], (NBLK,), 0, 16, dtype=jnp.int32)
    edgeToColumn = jax.random.randint(ks[4], (E,), 0, N, dtype=jnp.int32)
    edgeToRow = jax.random.randint(ks[5], (E,), 0, N, dtype=jnp.int32)
    hybrid_type = jax.random.randint(ks[6], (NBLK,), 0, 2, dtype=jnp.int32)
    row_nzr = jax.random.randint(ks[7], (N,), 0, 64, dtype=jnp.int32)
    col_nzr = jax.random.randint(ks[8], (E,), 0, N, dtype=jnp.int32)
    output = jnp.zeros((N, D_OUT), dtype=jnp.float32)
    weights = jax.random.normal(ks[9], (D_IN, D_OUT), dtype=jnp.float32) * (1.0 / np.sqrt(D_OUT))
    return {
        'X': X,
        'row_pointers': row_pointers,
        'column_index': column_index,
        'blockPartition': blockPartition,
        'edgeToColumn': edgeToColumn,
        'edgeToRow': edgeToRow,
        'hybrid_type': hybrid_type,
        'row_nzr': row_nzr,
        'col_nzr': col_nzr,
        'output': output,
        'weights': weights,
    }


def reference(X, row_pointers, column_index, blockPartition, edgeToColumn,
              edgeToRow, hybrid_type, row_nzr, col_nzr, output, weights):
    # TC-GNN GINConv fixed==0 path: fused SpMM aggregation (sum over neighbors
    # defined by CSR) followed by dense weight transform: X_prime_new = (A @ X) @ W.
    n_edges = column_index.shape[0]
    n_nodes = X.shape[0]
    # Map each edge to its destination row via CSR row pointers.
    row_ids = jnp.searchsorted(row_pointers, jnp.arange(n_edges, dtype=row_pointers.dtype), side='right') - 1
    # Gather neighbor features (memory-bound gather on SparseCore).
    gathered = jnp.take(X, column_index, axis=0)
    # Scatter-add per destination node (segment sum).
    X_prime = jax.ops.segment_sum(gathered, row_ids, num_segments=n_nodes)
    # Dense transform.
    X_prime_new = X_prime @ weights
    return X_prime_new

if __name__ == "__main__":
    import jax
    _d = setup_inputs()
    print(jax.jit(kernel)(*tuple(_d.values())))

</pallas_src>

<mosaic_0001>
#map = affine_map<(d0, d1) -> (0, 0)>
#map1 = affine_map<(d0, d1) -> (0)>
#map2 = affine_map<(d0, d1) -> (0, 0, 0)>
module attributes {stable_mosaic.version = 14 : i64} {
  func.func @agg(%arg0: i32, %arg1: i32, %arg2: memref<10000x128xf32, #tpu.memory_space<hbm>>, %arg3: memref<10001xi32, #tpu.memory_space<hbm>>, %arg4: memref<320000xi32, #tpu.memory_space<hbm>>, %arg5: memref<2x10000x128xf32, #tpu.memory_space<hbm>>, %arg6: memref<10008xi32, #tpu.memory_space<vmem>>, %arg7: memref<2x128xi32, #tpu.memory_space<vmem>>, %arg8: memref<2x128xi32, #tpu.memory_space<vmem>>, %arg9: memref<2x128x128xf32, #tpu.memory_space<vmem>>, %arg10: memref<1x16xi32, #tpu.memory_space<vmem>>, %arg11: memref<1x16xi32, #tpu.memory_space<vmem>>, %arg12: memref<16x128xf32, #tpu.memory_space<vmem>>, %arg13: memref<10000x128xf32, #tpu.memory_space<vmem_shared>>, %arg14: memref<!tpu.dma_semaphore, #tpu.memory_space<semaphore_mem>>, %arg15: memref<!tpu.dma_semaphore, #tpu.memory_space<semaphore_mem>>, %arg16: memref<!tpu.dma_semaphore, #tpu.memory_space<semaphore_mem>>, %arg17: memref<!tpu.dma_semaphore, #tpu.memory_space<semaphore_mem>>, %arg18: memref<!tpu.dma_semaphore, #tpu.memory_space<semaphore_mem>>, %arg19: memref<!tpu.dma_semaphore, #tpu.memory_space<semaphore_mem>>, %arg20: memref<!tpu.dma_semaphore, #tpu.memory_space<semaphore_mem>>) attributes {dimension_semantics = [#tpu.dimension_semantics<core_parallel>, #tpu.dimension_semantics<subcore_parallel>], iteration_bounds = array<i64: 2, 16>, scalar_prefetch = 0 : i64, scratch_operands = 15 : i64, tpu.core_type = #tpu.core_type<sc_vector_subcore>, window_params = [{transform_indices = #map}, {transform_indices = #map1}, {transform_indices = #map1}, {transform_indices = #map2}]} {
    %mul3A = arith.constant 16 : i32
    %mul3A_0 = arith.muli %arg0, %mul3A : i32
    %add3A = arith.addi %mul3A_0, %arg1 : i32
    %mul3A_1 = arith.constant 10000 : i32
    %mul3A_2 = arith.muli %add3A, %mul3A_1 : i32
    %iota3A = tpu.iota {dimensions = array<i32: 0>} : vector<16xi32>
    %broadcast_in_dim3A = arith.constant 0.000000e+00 : f32
    %broadcast_in_dim3A_3 = vector.broadcast %broadcast_in_dim3A : f32 to vector<16xf32>
    %scan3A = arith.constant 0 : i32
    %scan3A_4 = arith.constant 0 : i32
    %scan3A_5 = arith.constant 128 : i32
    %scan3A_6 = arith.addi %scan3A_4, %scan3A_5 : i32
    %scan3A_7 = arith.constant 1 : i32
    %scan3A_8 = scf.for %scan3A_129 = %scan3A_4 to %scan3A_6 step %scan3A_7 iter_args(%scan3A_130 = %scan3A) -> (i32)  : i32 {
      %scan3A_131 = arith.constant 0 : i32
      %scan3A_132 = arith.constant 0 : i32
      %scan3A_133 = arith.constant 8 : i32
      %scan3A_134 = arith.addi %scan3A_132, %scan3A_133 : i32
      %scan3A_135 = arith.constant 1 : i32
      %scan3A_136 = scf.for %scan3A_139 = %scan3A_132 to %scan3A_134 step %scan3A_135 iter_args(%scan3A_140 = %scan3A_131) -> (i32)  : i32 {
        %mul3A_141 = arith.constant 16 : i32
        %mul3A_142 = arith.muli %scan3A_139, %mul3A_141 : i32
        %swap3A_143 = arith.constant 0 : i32
        %swap3A_144 = arith.index_cast %swap3A_143 : i32 to index
        %swap3A_145 = arith.index_cast %scan3A_129 : i32 to index
        %swap3A_146 = arith.index_cast %mul3A_142 : i32 to index
        %swap3A_147 = tpu.vector_load %arg9[%swap3A_144, %swap3A_145, %swap3A_146] {strides = array<i32>} : memref<2x128x128xf32, #tpu.memory_space<vmem>>, vector<16xf32>,
        tpu.vector_store %arg9[%swap3A_144, %swap3A_145, %swap3A_146], %broadcast_in_dim3A_3 {strides = array<i32>} : memref<2x128x128xf32, #tpu.memory_space<vmem>>, vector<16xf32>,
        %scan3A_148 = arith.constant 0 : i32
        scf.yield %scan3A_148 : i32
      }
      %scan3A_137 = arith.constant 8 : i32
      %scan3A_138 = arith.constant 0 : i32
      scf.yield %scan3A_138 : i32
    }
    %scan3A_9 = arith.constant 128 : i32
    %mul3A_10 = arith.constant 632 : i32
    %mul3A_11 = arith.muli %arg1, %mul3A_10 : i32
    %lt3A = arith.constant 15 : i32
    %lt3A_12 = arith.cmpi slt, %arg1, %lt3A : i32
    %convert_element_type3A = arith.extui %lt3A_12 : i1 to i32
    %cond3A = arith.constant 0 : i32
    %cond3A_13 = arith.cmpi ne, %convert_element_type3A, %cond3A : i32
    scf.if %cond3A_13 {
      %add3A_129 = arith.constant 0 : i32
      %add3A_130 = arith.addi %mul3A_11, %add3A_129 : i32
      %run_scoped3A_131 = arith.constant 0 : i32
      "tpu.region"() ({
        %run_scoped3A_144 = tpu.sem_alloc : memref<!tpu.dma_semaphore, #tpu.memory_space<semaphore_mem>>
        %dma_start3A_145 = arith.constant 0 : i32
        %dma_start3A_146 = arith.constant 0 : i32
        %dma_start3A_147 = tpu.memref_slice %arg9[%run_scoped3A_131, %dma_start3A_145, %dma_start3A_146] : memref<2x128x128xf32, #tpu.memory_space<vmem>> -> memref<1x128x128xf32, #tpu.memory_space<vmem>>
        %dma_start3A_148 = tpu.memref_squeeze %dma_start3A_147 : memref<1x128x128xf32, #tpu.memory_space<vmem>> -> memref<128x128xf32, #tpu.memory_space<vmem>>
        %dma_start3A_149 = arith.constant 0 : i32
        %dma_start3A_150 = tpu.memref_slice %arg13[%add3A_130, %dma_start3A_149] : memref<10000x128xf32, #tpu.memory_space<vmem_shared>> -> memref<128x128xf32, #tpu.memory_space<vmem_shared>>
        %dma_start3A_151 = arith.constant 0 : i32
        %dma_start3A_152 = tpu.memref_slice %arg13[%add3A_130, %dma_start3A_151] : memref<10000x128xf32, #tpu.memory_space<vmem_shared>> -> memref<128x128xf32, #tpu.memory_space<vmem_shared>>
        %dma_start3A_153 = arith.constant 0 : i32
        %dma_start3A_154 = arith.constant 0 : i32
        %dma_start3A_155 = tpu.memref_slice %arg9[%run_scoped3A_131, %dma_start3A_153, %dma_start3A_154] : memref<2x128x128xf32, #tpu.memory_space<vmem>> -> memref<1x128x128xf32, #tpu.memory_space<vmem>>
        %dma_start3A_156 = tpu.memref_squeeze %dma_start3A_155 : memref<1x128x128xf32, #tpu.memory_space<vmem>> -> memref<128x128xf32, #tpu.memory_space<vmem>>
        tpu.enqueue_dma source(%dma_start3A_156 : memref<128x128xf32, #tpu.memory_space<vmem>>) target(%dma_start3A_152 : memref<128x128xf32, #tpu.memory_space<vmem_shared>>) target_semaphore(%run_scoped3A_144 : memref<!tpu.dma_semaphore, #tpu.memory_space<semaphore_mem>>)
        %dma_wait3A_157 = arith.constant 0 : i32
        %dma_wait3A_158 = arith.constant 0 : i32
        %dma_wait3A_159 = tpu.memref_slice %arg9[%run_scoped3A_131, %dma_wait3A_157, %dma_wait3A_158] : memref<2x128x128xf32, #tpu.memory_space<vmem>> -> memref<1x128x128xf32, #tpu.memory_space<vmem>>
        %dma_wait3A_160 = tpu.memref_squeeze %dma_wait3A_159 : memref<1x128x128xf32, #tpu.memory_space<vmem>> -> memref<128x128xf32, #tpu.memory_space<vmem>>
        %dma_wait3A_161 = arith.constant 0 : i32
        %dma_wait3A_162 = tpu.memref_slice %arg13[%add3A_130, %dma_wait3A_161] : memref<10000x128xf32, #tpu.memory_space<vmem_shared>> -> memref<128x128xf32, #tpu.memory_space<vmem_shared>>
        %dma_wait3A_163 = arith.constant 0 : i32
        %dma_wait3A_164 = tpu.memref_slice %arg13[%add3A_130, %dma_wait3A_163] : memref<10000x128xf32, #tpu.memory_space<vmem_shared>> -> memref<128x128xf32, #tpu.memory_space<vmem_shared>>
        %dma_wait3A_165 = arith.constant 0 : i32
        %dma_wait3A_166 = arith.constant 0 : i32
        %dma_wait3A_167 = tpu.memref_slice %arg9[%run_scoped3A_131, %dma_wait3A_165, %dma_wait3A_166] : memref<2x128x128xf32, #tpu.memory_space<vmem>> -> memref<1x128x128xf32, #tpu.memory_space<vmem>>
        %dma_wait3A_168 = tpu.memref_squeeze %dma_wait3A_167 : memref<1x128x128xf32, #tpu.memory_space<vmem>> -> memref<128x128xf32, #tpu.memory_space<vmem>>
        tpu.wait_dma2 semaphore(%run_scoped3A_144 : memref<!tpu.dma_semaphore, #tpu.memory_space<semaphore_mem>>) src(%dma_wait3A_168 : memref<128x128xf32, #tpu.memory_space<vmem>>) dst(%dma_wait3A_164 : memref<128x128xf32, #tpu.memory_space<vmem_shared>>)
        tpu.yield
      }) : () -> ()
      %add3A_132 = arith.constant 128 : i32
      %add3A_133 = arith.addi %mul3A_11, %add3A_132 : i32
      %run_scoped3A_134 = arith.constant 0 : i32
      "tpu.region"() ({
        %run_scoped3A_144 = tpu.sem_alloc : memref<!tpu.dma_semaphore, #tpu.memory_space<semaphore_mem>>
        %dma_start3A_145 = arith.constant 0 : i32
        %dma_start3A_146 = arith.constant 0 : i32
        %dma_start3A_147 = tpu.memref_slice %arg9[%run_scoped3A_134, %dma_start3A_145, %dma_start3A_146] : memref<2x128x128xf32, #tpu.memory_space<vmem>> -> memref<1x128x128xf32, #tpu.memory_space<vmem>>
        %dma_start3A_148 = tpu.memref_squeeze %dma_start3A_147 : memref<1x128x128xf32, #tpu.memory_space<vmem>> -> memref<128x128xf32, #tpu.memory_space<vmem>>
        %dma_start3A_149 = arith.constant 0 : i32
        %dma_start3A_150 = tpu.memref_slice %arg13[%add3A_133, %dma_start3A_149] : memref<10000x128xf32, #tpu.memory_space<vmem_shared>> -> memref<128x128xf32, #tpu.memory_space<vmem_shared>>
        %dma_start3A_151 = arith.constant 0 : i32
        %dma_start3A_152 = tpu.memref_slice %arg13[%add3A_133, %dma_start3A_151] : memref<10000x128xf32, #tpu.memory_space<vmem_shared>> -> memref<128x128xf32, #tpu.memory_space<vmem_shared>>
        %dma_start3A_153 = arith.constant 0 : i32
        %dma_start3A_154 = arith.constant 0 : i32
        %dma_start3A_155 = tpu.memref_slice %arg9[%run_scoped3A_134, %dma_start3A_153, %dma_start3A_154] : memref<2x128x128xf32, #tpu.memory_space<vmem>> -> memref<1x128x128xf32, #tpu.memory_space<vmem>>
        %dma_start3A_156 = tpu.memref_squeeze %dma_start3A_155 : memref<1x128x128xf32, #tpu.memory_space<vmem>> -> memref<128x128xf32, #tpu.memory_space<vmem>>
        tpu.enqueue_dma source(%dma_start3A_156 : memref<128x128xf32, #tpu.memory_space<vmem>>) target(%dma_start3A_152 : memref<128x128xf32, #tpu.memory_space<vmem_shared>>) target_semaphore(%run_scoped3A_144 : memref<!tpu.dma_semaphore, #tpu.memory_space<semaphore_mem>>)
        %dma_wait3A_157 = arith.constant 0 : i32
        %dma_wait3A_158 = arith.constant 0 : i32
        %dma_wait3A_159 = tpu.memref_slice %arg9[%run_scoped3A_134, %dma_wait3A_157, %dma_wait3A_158] : memref<2x128x128xf32, #tpu.memory_space<vmem>> -> memref<1x128x128xf32, #tpu.memory_space<vmem>>
        %dma_wait3A_160 = tpu.memref_squeeze %dma_wait3A_159 : memref<1x128x128xf32, #tpu.memory_space<vmem>> -> memref<128x128xf32, #tpu.memory_space<vmem>>
        %dma_wait3A_161 = arith.constant 0 : i32
        %dma_wait3A_162 = tpu.memref_slice %arg13[%add3A_133, %dma_wait3A_161] : memref<10000x128xf32, #tpu.memory_space<vmem_shared>> -> memref<128x128xf32, #tpu.memory_space<vmem_shared>>
        %dma_wait3A_163 = arith.constant 0 : i32
        %dma_wait3A_164 = tpu.memref_slice %arg13[%add3A_133, %dma_wait3A_163] : memref<10000x128xf32, #tpu.memory_space<vmem_shared>> -> memref<128x128xf32, #tpu.memory_space<vmem_shared>>
        %dma_wait3A_165 = arith.constant 0 : i32
        %dma_wait3A_166 = arith.constant 0 : i32
        %dma_wait3A_167 = tpu.memref_slice %arg9[%run_scoped3A_134, %dma_wait3A_165, %dma_wait3A_166] : memref<2x128x128xf32, #tpu.memory_space<vmem>> -> memref<1x128x128xf32, #tpu.memory_space<vmem>>
        %dma_wait3A_168 = tpu.memref_squeeze %dma_wait3A_167 : memref<1x128x128xf32, #tpu.memory_space<vmem>> -> memref<128x128xf32, #tpu.memory_space<vmem>>
        tpu.wait_dma2 semaphore(%run_scoped3A_144 : memref<!tpu.dma_semaphore, #tpu.memory_space<semaphore_mem>>) src(%dma_wait3A_168 : memref<128x128xf32, #tpu.memory_space<vmem>>) dst(%dma_wait3A_164 : memref<128x128xf32, #tpu.memory_space<vmem_shared>>)
        tpu.yield
      }) : () -> ()
      %add3A_135 = arith.constant 256 : i32
      %add3A_136 = arith.addi %mul3A_11, %add3A_135 : i32
      %run_scoped3A_137 = arith.constant 0 : i32
      "tpu.region"() ({
        %run_scoped3A_144 = tpu.sem_alloc : memref<!tpu.dma_semaphore, #tpu.memory_space<semaphore_mem>>
        %dma_start3A_145 = arith.constant 0 : i32
        %dma_start3A_146 = arith.constant 0 : i32
        %dma_start3A_147 = tpu.memref_slice %arg9[%run_scoped3A_137, %dma_start3A_145, %dma_start3A_146] : memref<2x128x128xf32, #tpu.memory_space<vmem>> -> memref<1x128x128xf32, #tpu.memory_space<vmem>>
        %dma_start3A_148 = tpu.memref_squeeze %dma_start3A_147 : memref<1x128x128xf32, #tpu.memory_space<vmem>> -> memref<128x128xf32, #tpu.memory_space<vmem>>
        %dma_start3A_149 = arith.constant 0 : i32
        %dma_start3A_150 = tpu.memref_slice %arg13[%add3A_136, %dma_start3A_149] : memref<10000x128xf32, #tpu.memory_space<vmem_shared>> -> memref<128x128xf32, #tpu.memory_space<vmem_shared>>
        %dma_start3A_151 = arith.constant 0 : i32
        %dma_start3A_152 = tpu.memref_slice %arg13[%add3A_136, %dma_start3A_151] : memref<10000x128xf32, #tpu.memory_space<vmem_shared>> -> memref<128x128xf32, #tpu.memory_space<vmem_shared>>
        %dma_start3A_153 = arith.constant 0 : i32
        %dma_start3A_154 = arith.constant 0 : i32
        %dma_start3A_155 = tpu.memref_slice %arg9[%run_scoped3A_137, %dma_start3A_153, %dma_start3A_154] : memref<2x128x128xf32, #tpu.memory_space<vmem>> -> memref<1x128x128xf32, #tpu.memory_space<vmem>>
        %dma_start3A_156 = tpu.memref_squeeze %dma_start3A_155 : memref<1x128x128xf32, #tpu.memory_space<vmem>> -> memref<128x128xf32, #tpu.memory_space<vmem>>
        tpu.enqueue_dma source(%dma_start3A_156 : memref<128x128xf32, #tpu.memory_space<vmem>>) target(%dma_start3A_152 : memref<128x128xf32, #tpu.memory_space<vmem_shared>>) target_semaphore(%run_scoped3A_144 : memref<!tpu.dma_semaphore, #tpu.memory_space<semaphore_mem>>)
        %dma_wait3A_157 = arith.constant 0 : i32
        %dma_wait3A_158 = arith.constant 0 : i32
        %dma_wait3A_159 = tpu.memref_slice %arg9[%run_scoped3A_137, %dma_wait3A_157, %dma_wait3A_158] : memref<2x128x128xf32, #tpu.memory_space<vmem>> -> memref<1x128x128xf32, #tpu.memory_space<vmem>>
        %dma_wait3A_160 = tpu.memref_squeeze %dma_wait3A_159 : memref<1x128x128xf32, #tpu.memory_space<vmem>> -> memref<128x128xf32, #tpu.memory_space<vmem>>
        %dma_wait3A_161 = arith.constant 0 : i32
        %dma_wait3A_162 = tpu.memref_slice %arg13[%add3A_136, %dma_wait3A_161] : memref<10000x128xf32, #tpu.memory_space<vmem_shared>> -> memref<128x128xf32, #tpu.memory_space<vmem_shared>>
        %dma_wait3A_163 = arith.constant 0 : i32
        %dma_wait3A_164 = tpu.memref_slice %arg13[%add3A_136, %dma_wait3A_163] : memref<10000x128xf32, #tpu.memory_space<vmem_shared>> -> memref<128x128xf32, #tpu.memory_space<vmem_shared>>
        %dma_wait3A_165 = arith.constant 0 : i32
        %dma_wait3A_166 = arith.constant 0 : i32
        %dma_wait3A_167 = tpu.memref_slice %arg9[%run_scoped3A_137, %dma_wait3A_165, %dma_wait3A_166] : memref<2x128x128xf32, #tpu.memory_space<vmem>> -> memref<1x128x128xf32, #tpu.memory_space<vmem>>
        %dma_wait3A_168 = tpu.memref_squeeze %dma_wait3A_167 : memref<1x128x128xf32, #tpu.memory_space<vmem>> -> memref<128x128xf32, #tpu.memory_space<vmem>>
        tpu.wait_dma2 semaphore(%run_scoped3A_144 : memref<!tpu.dma_semaphore, #tpu.memory_space<semaphore_mem>>) src(%dma_wait3A_168 : memref<128x128xf32, #tpu.memory_space<vmem>>) dst(%dma_wait3A_164 : memref<128x128xf32, #tpu.memory_space<vmem_shared>>)
        tpu.yield
      }) : () -> ()
      %add3A_138 = arith.constant 384 : i32
      %add3A_139 = arith.addi %mul3A_11, %add3A_138 : i32
      %run_scoped3A_140 = arith.constant 0 : i32
      "tpu.region"() ({
        %run_scoped3A_144 = tpu.sem_alloc : memref<!tpu.dma_semaphore, #tpu.memory_space<semaphore_mem>>
        %dma_start3A_145 = arith.constant 0 : i32
        %dma_start3A_146 = arith.constant 0 : i32
        %dma_start3A_147 = tpu.memref_slice %arg9[%run_scoped3A_140, %dma_start3A_145, %dma_start3A_146] : memref<2x128x128xf32, #tpu.memory_space<vmem>> -> memref<1x128x128xf32, #tpu.memory_space<vmem>>
        %dma_start3A_148 = tpu.memref_squeeze %dma_start3A_147 : memref<1x128x128xf32, #tpu.memory_space<vmem>> -> memref<128x128xf32, #tpu.memory_space<vmem>>
        %dma_start3A_149 = arith.constant 0 : i32
        %dma_start3A_150 = tpu.memref_slice %arg13[%add3A_139, %dma_start3A_149] : memref<10000x128xf32, #tpu.memory_space<vmem_shared>> -> memref<128x128xf32, #tpu.memory_space<vmem_shared>>
        %dma_start3A_151 = arith.constant 0 : i32
        %dma_start3A_152 = tpu.memref_slice %arg13[%add3A_139, %dma_start3A_151] : memref<10000x128xf32, #tpu.memory_space<vmem_shared>> -> memref<128x128xf32, #tpu.memory_space<vmem_shared>>
        %dma_start3A_153 = arith.constant 0 : i32
        %dma_start3A_154 = arith.constant 0 : i32
        %dma_start3A_155 = tpu.memref_slice %arg9[%run_scoped3A_140, %dma_start3A_153, %dma_start3A_154] : memref<2x128x128xf32, #tpu.memory_space<vmem>> -> memref<1x128x128xf32, #tpu.memory_space<vmem>>
        %dma_start3A_156 = tpu.memref_squeeze %dma_start3A_155 : memref<1x128x128xf32, #tpu.memory_space<vmem>> -> memref<128x128xf32, #tpu.memory_space<vmem>>
        tpu.enqueue_dma source(%dma_start3A_156 : memref<128x128xf32, #tpu.memory_space<vmem>>) target(%dma_start3A_152 : memref<128x128xf32, #tpu.memory_space<vmem_shared>>) target_semaphore(%run_scoped3A_144 : memref<!tpu.dma_semaphore, #tpu.memory_space<semaphore_mem>>)
        %dma_wait3A_157 = arith.constant 0 : i32
        %dma_wait3A_158 = arith.constant 0 : i32
        %dma_wait3A_159 = tpu.memref_slice %arg9[%run_scoped3A_140, %dma_wait3A_157, %dma_wait3A_158] : memref<2x128x128xf32, #tpu.memory_space<vmem>> -> memref<1x128x128xf32, #tpu.memory_space<vmem>>
        %dma_wait3A_160 = tpu.memref_squeeze %dma_wait3A_159 : memref<1x128x128xf32, #tpu.memory_space<vmem>> -> memref<128x128xf32, #tpu.memory_space<vmem>>
        %dma_wait3A_161 = arith.constant 0 : i32
        %dma_wait3A_162 = tpu.memref_slice %arg13[%add3A_139, %dma_wait3A_161] : memref<10000x128xf32, #tpu.memory_space<vmem_shared>> -> memref<128x128xf32, #tpu.memory_space<vmem_shared>>
        %dma_wait3A_163 = arith.constant 0 : i32
        %dma_wait3A_164 = tpu.memref_slice %arg13[%add3A_139, %dma_wait3A_163] : memref<10000x128xf32, #tpu.memory_space<vmem_shared>> -> memref<128x128xf32, #tpu.memory_space<vmem_shared>>
        %dma_wait3A_165 = arith.constant 0 : i32
        %dma_wait3A_166 = arith.constant 0 : i32
        %dma_wait3A_167 = tpu.memref_slice %arg9[%run_scoped3A_140, %dma_wait3A_165, %dma_wait3A_166] : memref<2x128x128xf32, #tpu.memory_space<vmem>> -> memref<1x128x128xf32, #tpu.memory_space<vmem>>
        %dma_wait3A_168 = tpu.memref_squeeze %dma_wait3A_167 : memref<1x128x128xf32, #tpu.memory_space<vmem>> -> memref<128x128xf32, #tpu.memory_space<vmem>>
        tpu.wait_dma2 semaphore(%run_scoped3A_144 : memref<!tpu.dma_semaphore, #tpu.memory_space<semaphore_mem>>) src(%dma_wait3A_168 : memref<128x128xf32, #tpu.memory_space<vmem>>) dst(%dma_wait3A_164 : memref<128x128xf32, #tpu.memory_space<vmem_shared>>)
        tpu.yield
      }) : () -> ()
      %add3A_141 = arith.constant 512 : i32
      %add3A_142 = arith.addi %mul3A_11, %add3A_141 : i32
      %run_scoped3A_143 = arith.constant 0 : i32
      "tpu.region"() ({
        %run_scoped3A_144 = tpu.sem_alloc : memref<!tpu.dma_semaphore, #tpu.memory_space<semaphore_mem>>
        %dma_start3A_145 = arith.constant 0 : i32
        %dma_start3A_146 = arith.constant 0 : i32
        %dma_start3A_147 = tpu.memref_slice %arg9[%run_scoped3A_143, %dma_start3A_145, %dma_start3A_146] : memref<2x128x128xf32, #tpu.memory_space<vmem>> -> memref<1x120x128xf32, #tpu.memory_space<vmem>>
        %dma_start3A_148 = tpu.memref_squeeze %dma_start3A_147 : memref<1x120x128xf32, #tpu.memory_space<vmem>> -> memref<120x128xf32, #tpu.memory_space<vmem>>
        %dma_start3A_149 = arith.constant 0 : i32
        %dma_start3A_150 = tpu.memref_slice %arg13[%add3A_142, %dma_start3A_149] : memref<10000x128xf32, #tpu.memory_space<vmem_shared>> -> memref<120x128xf32, #tpu.memory_space<vmem_shared>>
        %dma_start3A_151 = arith.constant 0 : i32
        %dma_start3A_152 = tpu.memref_slice %arg13[%add3A_142, %dma_start3A_151] : memref<10000x128xf32, #tpu.memory_space<vmem_shared>> -> memref<120x128xf32, #tpu.memory_space<vmem_shared>>
        %dma_start3A_153 = arith.constant 0 : i32
        %dma_start3A_154 = arith.constant 0 : i32
        %dma_start3A_155 = tpu.memref_slice %arg9[%run_scoped3A_143, %dma_start3A_153, %dma_start3A_154] : memref<2x128x128xf32, #tpu.memory_space<vmem>> -> memref<1x120x128xf32, #tpu.memory_space<vmem>>
        %dma_start3A_156 = tpu.memref_squeeze %dma_start3A_155 : memref<1x120x128xf32, #tpu.memory_space<vmem>> -> memref<120x128xf32, #tpu.memory_space<vmem>>
        tpu.enqueue_dma source(%dma_start3A_156 : memref<120x128xf32, #tpu.memory_space<vmem>>) target(%dma_start3A_152 : memref<120x128xf32, #tpu.memory_space<vmem_shared>>) target_semaphore(%run_scoped3A_144 : memref<!tpu.dma_semaphore, #tpu.memory_space<semaphore_mem>>)
        %dma_wait3A_157 = arith.constant 0 : i32
        %dma_wait3A_158 = arith.constant 0 : i32
        %dma_wait3A_159 = tpu.memref_slice %arg9[%run_scoped3A_143, %dma_wait3A_157, %dma_wait3A_158] : memref<2x128x128xf32, #tpu.memory_space<vmem>> -> memref<1x120x128xf32, #tpu.memory_space<vmem>>
        %dma_wait3A_160 = tpu.memref_squeeze %dma_wait3A_159 : memref<1x120x128xf32, #tpu.memory_space<vmem>> -> memref<120x128xf32, #tpu.memory_space<vmem>>
        %dma_wait3A_161 = arith.constant 0 : i32
        %dma_wait3A_162 = tpu.memref_slice %arg13[%add3A_142, %dma_wait3A_161] : memref<10000x128xf32, #tpu.memory_space<vmem_shared>> -> memref<120x128xf32, #tpu.memory_space<vmem_shared>>
        %dma_wait3A_163 = arith.constant 0 : i32
        %dma_wait3A_164 = tpu.memref_slice %arg13[%add3A_142, %dma_wait3A_163] : memref<10000x128xf32, #tpu.memory_space<vmem_shared>> -> memref<120x128xf32, #tpu.memory_space<vmem_shared>>
        %dma_wait3A_165 = arith.constant 0 : i32
        %dma_wait3A_166 = arith.constant 0 : i32
        %dma_wait3A_167 = tpu.memref_slice %arg9[%run_scoped3A_143, %dma_wait3A_165, %dma_wait3A_166] : memref<2x128x128xf32, #tpu.memory_space<vmem>> -> memref<1x120x128xf32, #tpu.memory_space<vmem>>
        %dma_wait3A_168 = tpu.memref_squeeze %dma_wait3A_167 : memref<1x120x128xf32, #tpu.memory_space<vmem>> -> memref<120x128xf32, #tpu.memory_space<vmem>>
        tpu.wait_dma2 semaphore(%run_scoped3A_144 : memref<!tpu.dma_semaphore, #tpu.memory_space<semaphore_mem>>) src(%dma_wait3A_168 : memref<120x128xf32, #tpu.memory_space<vmem>>) dst(%dma_wait3A_164 : memref<120x128xf32, #tpu.memory_space<vmem_shared>>)
        tpu.yield
      }) : () -> ()
    } else {
    }
    %eq3A = arith.constant 15 : i32
    %eq3A_14 = arith.cmpi eq, %arg1, %eq3A : i32
    %convert_element_type3A_15 = arith.extui %eq3A_14 : i1 to i32
    %cond3A_16 = arith.constant 0 : i32
    %cond3A_17 = arith.cmpi ne, %convert_element_type3A_15, %cond3A_16 : i32
    scf.if %cond3A_17 {
      %add3A_129 = arith.constant 0 : i32
      %add3A_130 = arith.addi %mul3A_11, %add3A_129 : i32
      %run_scoped3A_131 = arith.constant 0 : i32
      "tpu.region"() ({
        %run_scoped3A_144 = tpu.sem_alloc : memref<!tpu.dma_semaphore, #tpu.memory_space<semaphore_mem>>
        %dma_start3A_145 = arith.constant 0 : i32
        %dma_start3A_146 = arith.constant 0 : i32
        %dma_start3A_147 = tpu.memref_slice %arg9[%run_scoped3A_131, %dma_start3A_145, %dma_start3A_146] : memref<2x128x128xf32, #tpu.memory_space<vmem>> -> memref<1x128x128xf32, #tpu.memory_space<vmem>>
        %dma_start3A_148 = tpu.memref_squeeze %dma_start3A_147 : memref<1x128x128xf32, #tpu.memory_space<vmem>> -> memref<128x128xf32, #tpu.memory_space<vmem>>
        %dma_start3A_149 = arith.constant 0 : i32
        %dma_start3A_150 = tpu.memref_slice %arg13[%add3A_130, %dma_start3A_149] : memref<10000x128xf32, #tpu.memory_space<vmem_shared>> -> memref<128x128xf32, #tpu.memory_space<vmem_shared>>
        %dma_start3A_151 = arith.constant 0 : i32
        %dma_start3A_152 = tpu.memref_slice %arg13[%add3A_130, %dma_start3A_151] : memref<10000x128xf32, #tpu.memory_space<vmem_shared>> -> memref<128x128xf32, #tpu.memory_space<vmem_shared>>
        %dma_start3A_153 = arith.constant 0 : i32
        %dma_start3A_154 = arith.constant 0 : i32
        %dma_start3A_155 = tpu.memref_slice %arg9[%run_scoped3A_131, %dma_start3A_153, %dma_start3A_154] : memref<2x128x128xf32, #tpu.memory_space<vmem>> -> memref<1x128x128xf32, #tpu.memory_space<vmem>>
        %dma_start3A_156 = tpu.memref_squeeze %dma_start3A_155 : memref<1x128x128xf32, #tpu.memory_space<vmem>> -> memref<128x128xf32, #tpu.memory_space<vmem>>
        tpu.enqueue_dma source(%dma_start3A_156 : memref<128x128xf32, #tpu.memory_space<vmem>>) target(%dma_start3A_152 : memref<128x128xf32, #tpu.memory_space<vmem_shared>>) target_semaphore(%run_scoped3A_144 : memref<!tpu.dma_semaphore, #tpu.memory_space<semaphore_mem>>)
        %dma_wait3A_157 = arith.constant 0 : i32
        %dma_wait3A_158 = arith.constant 0 : i32
        %dma_wait3A_159 = tpu.memref_slice %arg9[%run_scoped3A_131, %dma_wait3A_157, %dma_wait3A_158] : memref<2x128x128xf32, #tpu.memory_space<vmem>> -> memref<1x128x128xf32, #tpu.memory_space<vmem>>
        %dma_wait3A_160 = tpu.memref_squeeze %dma_wait3A_159 : memref<1x128x128xf32, #tpu.memory_space<vmem>> -> memref<128x128xf32, #tpu.memory_space<vmem>>
        %dma_wait3A_161 = arith.constant 0 : i32
        %dma_wait3A_162 = tpu.memref_slice %arg13[%add3A_130, %dma_wait3A_161] : memref<10000x128xf32, #tpu.memory_space<vmem_shared>> -> memref<128x128xf32, #tpu.memory_space<vmem_shared>>
        %dma_wait3A_163 = arith.constant 0 : i32
        %dma_wait3A_164 = tpu.memref_slice %arg13[%add3A_130, %dma_wait3A_163] : memref<10000x128xf32, #tpu.memory_space<vmem_shared>> -> memref<128x128xf32, #tpu.memory_space<vmem_shared>>
        %dma_wait3A_165 = arith.constant 0 : i32
        %dma_wait3A_166 = arith.constant 0 : i32
        %dma_wait3A_167 = tpu.memref_slice %arg9[%run_scoped3A_131, %dma_wait3A_165, %dma_wait3A_166] : memref<2x128x128xf32, #tpu.memory_space<vmem>> -> memref<1x128x128xf32, #tpu.memory_space<vmem>>
        %dma_wait3A_168 = tpu.memref_squeeze %dma_wait3A_167 : memref<1x128x128xf32, #tpu.memory_space<vmem>> -> memref<128x128xf32, #tpu.memory_space<vmem>>
        tpu.wait_dma2 semaphore(%run_scoped3A_144 : memref<!tpu.dma_semaphore, #tpu.memory_space<semaphore_mem>>) src(%dma_wait3A_168 : memref<128x128xf32, #tpu.memory_space<vmem>>) dst(%dma_wait3A_164 : memref<128x128xf32, #tpu.memory_space<vmem_shared>>)
        tpu.yield
      }) : () -> ()
      %add3A_132 = arith.constant 128 : i32
      %add3A_133 = arith.addi %mul3A_11, %add3A_132 : i32
      %run_scoped3A_134 = arith.constant 0 : i32
      "tpu.region"() ({
        %run_scoped3A_144 = tpu.sem_alloc : memref<!tpu.dma_semaphore, #tpu.memory_space<semaphore_mem>>
        %dma_start3A_145 = arith.constant 0 : i32
        %dma_start3A_146 = arith.constant 0 : i32
        %dma_start3A_147 = tpu.memref_slice %arg9[%run_scoped3A_134, %dma_start3A_145, %dma_start3A_146] : memref<2x128x128xf32, #tpu.memory_space<vmem>> -> memref<1x128x128xf32, #tpu.memory_space<vmem>>
        %dma_start3A_148 = tpu.memref_squeeze %dma_start3A_147 : memref<1x128x128xf32, #tpu.memory_space<vmem>> -> memref<128x128xf32, #tpu.memory_space<vmem>>
        %dma_start3A_149 = arith.constant 0 : i32
        %dma_start3A_150 = tpu.memref_slice %arg13[%add3A_133, %dma_start3A_149] : memref<10000x128xf32, #tpu.memory_space<vmem_shared>> -> memref<128x128xf32, #tpu.memory_space<vmem_shared>>
        %dma_start3A_151 = arith.constant 0 : i32
        %dma_start3A_152 = tpu.memref_slice %arg13[%add3A_133, %dma_start3A_151] : memref<10000x128xf32, #tpu.memory_space<vmem_shared>> -> memref<128x128xf32, #tpu.memory_space<vmem_shared>>
        %dma_start3A_153 = arith.constant 0 : i32
        %dma_start3A_154 = arith.constant 0 : i32
        %dma_start3A_155 = tpu.memref_slice %arg9[%run_scoped3A_134, %dma_start3A_153, %dma_start3A_154] : memref<2x128x128xf32, #tpu.memory_space<vmem>> -> memref<1x128x128xf32, #tpu.memory_space<vmem>>
        %dma_start3A_156 = tpu.memref_squeeze %dma_start3A_155 : memref<1x128x128xf32, #tpu.memory_space<vmem>> -> memref<128x128xf32, #tpu.memory_space<vmem>>
        tpu.enqueue_dma source(%dma_start3A_156 : memref<128x128xf32, #tpu.memory_space<vmem>>) target(%dma_start3A_152 : memref<128x128xf32, #tpu.memory_space<vmem_shared>>) target_semaphore(%run_scoped3A_144 : memref<!tpu.dma_semaphore, #tpu.memory_space<semaphore_mem>>)
        %dma_wait3A_157 = arith.constant 0 : i32
        %dma_wait3A_158 = arith.constant 0 : i32
        %dma_wait3A_159 = tpu.memref_slice %arg9[%run_scoped3A_134, %dma_wait3A_157, %dma_wait3A_158] : memref<2x128x128xf32, #tpu.memory_space<vmem>> -> memref<1x128x128xf32, #tpu.memory_space<vmem>>
        %dma_wait3A_160 = tpu.memref_squeeze %dma_wait3A_159 : memref<1x128x128xf32, #tpu.memory_space<vmem>> -> memref<128x128xf32, #tpu.memory_space<vmem>>
        %dma_wait3A_161 = arith.constant 0 : i32
        %dma_wait3A_162 = tpu.memref_slice %arg13[%add3A_133, %dma_wait3A_161] : memref<10000x128xf32, #tpu.memory_space<vmem_shared>> -> memref<128x128xf32, #tpu.memory_space<vmem_shared>>
        %dma_wait3A_163 = arith.constant 0 : i32
        %dma_wait3A_164 = tpu.memref_slice %arg13[%add3A_133, %dma_wait3A_163] : memref<10000x128xf32, #tpu.memory_space<vmem_shared>> -> memref<128x128xf32, #tpu.memory_space<vmem_shared>>
        %dma_wait3A_165 = arith.constant 0 : i32
        %dma_wait3A_166 = arith.constant 0 : i32
        %dma_wait3A_167 = tpu.memref_slice %arg9[%run_scoped3A_134, %dma_wait3A_165, %dma_wait3A_166] : memref<2x128x128xf32, #tpu.memory_space<vmem>> -> memref<1x128x128xf32, #tpu.memory_space<vmem>>
        %dma_wait3A_168 = tpu.memref_squeeze %dma_wait3A_167 : memref<1x128x128xf32, #tpu.memory_space<vmem>> -> memref<128x128xf32, #tpu.memory_space<vmem>>
        tpu.wait_dma2 semaphore(%run_scoped3A_144 : memref<!tpu.dma_semaphore, #tpu.memory_space<semaphore_mem>>) src(%dma_wait3A_168 : memref<128x128xf32, #tpu.memory_space<vmem>>) dst(%dma_wait3A_164 : memref<128x128xf32, #tpu.memory_space<vmem_shared>>)
        tpu.yield
      }) : () -> ()
      %add3A_135 = arith.constant 256 : i32
      %add3A_136 = arith.addi %mul3A_11, %add3A_135 : i32
      %run_scoped3A_137 = arith.constant 0 : i32
      "tpu.region"() ({
        %run_scoped3A_144 = tpu.sem_alloc : memref<!tpu.dma_semaphore, #tpu.memory_space<semaphore_mem>>
        %dma_start3A_145 = arith.constant 0 : i32
        %dma_start3A_146 = arith.constant 0 : i32
        %dma_start3A_147 = tpu.memref_slice %arg9[%run_scoped3A_137, %dma_start3A_145, %dma_start3A_146] : memref<2x128x128xf32, #tpu.memory_space<vmem>> -> memref<1x128x128xf32, #tpu.memory_space<vmem>>
        %dma_start3A_148 = tpu.memref_squeeze %dma_start3A_147 : memref<1x128x128xf32, #tpu.memory_space<vmem>> -> memref<128x128xf32, #tpu.memory_space<vmem>>
        %dma_start3A_149 = arith.constant 0 : i32
        %dma_start3A_150 = tpu.memref_slice %arg13[%add3A_136, %dma_start3A_149] : memref<10000x128xf32, #tpu.memory_space<vmem_shared>> -> memref<128x128xf32, #tpu.memory_space<vmem_shared>>
        %dma_start3A_151 = arith.constant 0 : i32
        %dma_start3A_152 = tpu.memref_slice %arg13[%add3A_136, %dma_start3A_151] : memref<10000x128xf32, #tpu.memory_space<vmem_shared>> -> memref<128x128xf32, #tpu.memory_space<vmem_shared>>
        %dma_start3A_153 = arith.constant 0 : i32
        %dma_start3A_154 = arith.constant 0 : i32
        %dma_start3A_155 = tpu.memref_slice %arg9[%run_scoped3A_137, %dma_start3A_153, %dma_start3A_154] : memref<2x128x128xf32, #tpu.memory_space<vmem>> -> memref<1x128x128xf32, #tpu.memory_space<vmem>>
        %dma_start3A_156 = tpu.memref_squeeze %dma_start3A_155 : memref<1x128x128xf32, #tpu.memory_space<vmem>> -> memref<128x128xf32, #tpu.memory_space<vmem>>
        tpu.enqueue_dma source(%dma_start3A_156 : memref<128x128xf32, #tpu.memory_space<vmem>>) target(%dma_start3A_152 : memref<128x128xf32, #tpu.memory_space<vmem_shared>>) target_semaphore(%run_scoped3A_144 : memref<!tpu.dma_semaphore, #tpu.memory_space<semaphore_mem>>)
        %dma_wait3A_157 = arith.constant 0 : i32
        %dma_wait3A_158 = arith.constant 0 : i32
        %dma_wait3A_159 = tpu.memref_slice %arg9[%run_scoped3A_137, %dma_wait3A_157, %dma_wait3A_158] : memref<2x128x128xf32, #tpu.memory_space<vmem>> -> memref<1x128x128xf32, #tpu.memory_space<vmem>>
        %dma_wait3A_160 = tpu.memref_squeeze %dma_wait3A_159 : memref<1x128x128xf32, #tpu.memory_space<vmem>> -> memref<128x128xf32, #tpu.memory_space<vmem>>
        %dma_wait3A_161 = arith.constant 0 : i32
        %dma_wait3A_162 = tpu.memref_slice %arg13[%add3A_136, %dma_wait3A_161] : memref<10000x128xf32, #tpu.memory_space<vmem_shared>> -> memref<128x128xf32, #tpu.memory_space<vmem_shared>>
        %dma_wait3A_163 = arith.constant 0 : i32
        %dma_wait3A_164 = tpu.memref_slice %arg13[%add3A_136, %dma_wait3A_163] : memref<10000x128xf32, #tpu.memory_space<vmem_shared>> -> memref<128x128xf32, #tpu.memory_space<vmem_shared>>
        %dma_wait3A_165 = arith.constant 0 : i32
        %dma_wait3A_166 = arith.constant 0 : i32
        %dma_wait3A_167 = tpu.memref_slice %arg9[%run_scoped3A_137, %dma_wait3A_165, %dma_wait3A_166] : memref<2x128x128xf32, #tpu.memory_space<vmem>> -> memref<1x128x128xf32, #tpu.memory_space<vmem>>
        %dma_wait3A_168 = tpu.memref_squeeze %dma_wait3A_167 : memref<1x128x128xf32, #tpu.memory_space<vmem>> -> memref<128x128xf32, #tpu.memory_space<vmem>>
        tpu.wait_dma2 semaphore(%run_scoped3A_144 : memref<!tpu.dma_semaphore, #tpu.memory_space<semaphore_mem>>) src(%dma_wait3A_168 : memref<128x128xf32, #tpu.memory_space<vmem>>) dst(%dma_wait3A_164 : memref<128x128xf32, #tpu.memory_space<vmem_shared>>)
        tpu.yield
      }) : () -> ()
      %add3A_138 = arith.constant 384 : i32
      %add3A_139 = arith.addi %mul3A_11, %add3A_138 : i32
      %run_scoped3A_140 = arith.constant 0 : i32
      "tpu.region"() ({
        %run_scoped3A_144 = tpu.sem_alloc : memref<!tpu.dma_semaphore, #tpu.memory_space<semaphore_mem>>
        %dma_start3A_145 = arith.constant 0 : i32
        %dma_start3A_146 = arith.constant 0 : i32
        %dma_start3A_147 = tpu.memref_slice %arg9[%run_scoped3A_140, %dma_start3A_145, %dma_start3A_146] : memref<2x128x128xf32, #tpu.memory_space<vmem>> -> memref<1x128x128xf32, #tpu.memory_space<vmem>>
        %dma_start3A_148 = tpu.memref_squeeze %dma_start3A_147 : memref<1x128x128xf32, #tpu.memory_space<vmem>> -> memref<128x128xf32, #tpu.memory_space<vmem>>
        %dma_start3A_149 = arith.constant 0 : i32
        %dma_start3A_150 = tpu.memref_slice %arg13[%add3A_139, %dma_start3A_149] : memref<10000x128xf32, #tpu.memory_space<vmem_shared>> -> memref<128x128xf32, #tpu.memory_space<vmem_shared>>
        %dma_start3A_151 = arith.constant 0 : i32
        %dma_start3A_152 = tpu.memref_slice %arg13[%add3A_139, %dma_start3A_151] : memref<10000x128xf32, #tpu.memory_space<vmem_shared>> -> memref<128x128xf32, #tpu.memory_space<vmem_shared>>
        %dma_start3A_153 = arith.constant 0 : i32
        %dma_start3A_154 = arith.constant 0 : i32
        %dma_start3A_155 = tpu.memref_slice %arg9[%run_scoped3A_140, %dma_start3A_153, %dma_start3A_154] : memref<2x128x128xf32, #tpu.memory_space<vmem>> -> memref<1x128x128xf32, #tpu.memory_space<vmem>>
        %dma_start3A_156 = tpu.memref_squeeze %dma_start3A_155 : memref<1x128x128xf32, #tpu.memory_space<vmem>> -> memref<128x128xf32, #tpu.memory_space<vmem>>
        tpu.enqueue_dma source(%dma_start3A_156 : memref<128x128xf32, #tpu.memory_space<vmem>>) target(%dma_start3A_152 : memref<128x128xf32, #tpu.memory_space<vmem_shared>>) target_semaphore(%run_scoped3A_144 : memref<!tpu.dma_semaphore, #tpu.memory_space<semaphore_mem>>)
        %dma_wait3A_157 = arith.constant 0 : i32
        %dma_wait3A_158 = arith.constant 0 : i32
        %dma_wait3A_159 = tpu.memref_slice %arg9[%run_scoped3A_140, %dma_wait3A_157, %dma_wait3A_158] : memref<2x128x128xf32, #tpu.memory_space<vmem>> -> memref<1x128x128xf32, #tpu.memory_space<vmem>>
        %dma_wait3A_160 = tpu.memref_squeeze %dma_wait3A_159 : memref<1x128x128xf32, #tpu.memory_space<vmem>> -> memref<128x128xf32, #tpu.memory_space<vmem>>
        %dma_wait3A_161 = arith.constant 0 : i32
        %dma_wait3A_162 = tpu.memref_slice %arg13[%add3A_139, %dma_wait3A_161] : memref<10000x128xf32, #tpu.memory_space<vmem_shared>> -> memref<128x128xf32, #tpu.memory_space<vmem_shared>>
        %dma_wait3A_163 = arith.constant 0 : i32
        %dma_wait3A_164 = tpu.memref_slice %arg13[%add3A_139, %dma_wait3A_163] : memref<10000x128xf32, #tpu.memory_space<vmem_shared>> -> memref<128x128xf32, #tpu.memory_space<vmem_shared>>
        %dma_wait3A_165 = arith.constant 0 : i32
        %dma_wait3A_166 = arith.constant 0 : i32
        %dma_wait3A_167 = tpu.memref_slice %arg9[%run_scoped3A_140, %dma_wait3A_165, %dma_wait3A_166] : memref<2x128x128xf32, #tpu.memory_space<vmem>> -> memref<1x128x128xf32, #tpu.memory_space<vmem>>
        %dma_wait3A_168 = tpu.memref_squeeze %dma_wait3A_167 : memref<1x128x128xf32, #tpu.memory_space<vmem>> -> memref<128x128xf32, #tpu.memory_space<vmem>>
        tpu.wait_dma2 semaphore(%run_scoped3A_144 : memref<!tpu.dma_semaphore, #tpu.memory_space<semaphore_mem>>) src(%dma_wait3A_168 : memref<128x128xf32, #tpu.memory_space<vmem>>) dst(%dma_wait3A_164 : memref<128x128xf32, #tpu.memory_space<vmem_shared>>)
        tpu.yield
      }) : () -> ()
      %add3A_141 = arith.constant 512 : i32
      %add3A_142 = arith.addi %mul3A_11, %add3A_141 : i32
      %run_scoped3A_143 = arith.constant 0 : i32
      "tpu.region"() ({
        %run_scoped3A_144 = tpu.sem_alloc : memref<!tpu.dma_semaphore, #tpu.memory_space<semaphore_mem>>
        %dma_start3A_145 = arith.constant 0 : i32
        %dma_start3A_146 = arith.constant 0 : i32
        %dma_start3A_147 = tpu.memref_slice %arg9[%run_scoped3A_143, %dma_start3A_145, %dma_start3A_146] : memref<2x128x128xf32, #tpu.memory_space<vmem>> -> memref<1x8x128xf32, #tpu.memory_space<vmem>>
        %dma_start3A_148 = tpu.memref_squeeze %dma_start3A_147 : memref<1x8x128xf32, #tpu.memory_space<vmem>> -> memref<8x128xf32, #tpu.memory_space<vmem>>
        %dma_start3A_149 = arith.constant 0 : i32
        %dma_start3A_150 = tpu.memref_slice %arg13[%add3A_142, %dma_start3A_149] : memref<10000x128xf32, #tpu.memory_space<vmem_shared>> -> memref<8x128xf32, #tpu.memory_space<vmem_shared>>
        %dma_start3A_151 = arith.constant 0 : i32
        %dma_start3A_152 = tpu.memref_slice %arg13[%add3A_142, %dma_start3A_151] : memref<10000x128xf32, #tpu.memory_space<vmem_shared>> -> memref<8x128xf32, #tpu.memory_space<vmem_shared>>
        %dma_start3A_153 = arith.constant 0 : i32
        %dma_start3A_154 = arith.constant 0 : i32
        %dma_start3A_155 = tpu.memref_slice %arg9[%run_scoped3A_143, %dma_start3A_153, %dma_start3A_154] : memref<2x128x128xf32, #tpu.memory_space<vmem>> -> memref<1x8x128xf32, #tpu.memory_space<vmem>>
        %dma_start3A_156 = tpu.memref_squeeze %dma_start3A_155 : memref<1x8x128xf32, #tpu.memory_space<vmem>> -> memref<8x128xf32, #tpu.memory_space<vmem>>
        tpu.enqueue_dma source(%dma_start3A_156 : memref<8x128xf32, #tpu.memory_space<vmem>>) target(%dma_start3A_152 : memref<8x128xf32, #tpu.memory_space<vmem_shared>>) target_semaphore(%run_scoped3A_144 : memref<!tpu.dma_semaphore, #tpu.memory_space<semaphore_mem>>)
        %dma_wait3A_157 = arith.constant 0 : i32
        %dma_wait3A_158 = arith.constant 0 : i32
        %dma_wait3A_159 = tpu.memref_slice %arg9[%run_scoped3A_143, %dma_wait3A_157, %dma_wait3A_158] : memref<2x128x128xf32, #tpu.memory_space<vmem>> -> memref<1x8x128xf32, #tpu.memory_space<vmem>>
        %dma_wait3A_160 = tpu.memref_squeeze %dma_wait3A_159 : memref<1x8x128xf32, #tpu.memory_space<vmem>> -> memref<8x128xf32, #tpu.memory_space<vmem>>
        %dma_wait3A_161 = arith.constant 0 : i32
        %dma_wait3A_162 = tpu.memref_slice %arg13[%add3A_142, %dma_wait3A_161] : memref<10000x128xf32, #tpu.memory_space<vmem_shared>> -> memref<8x128xf32, #tpu.memory_space<vmem_shared>>
        %dma_wait3A_163 = arith.constant 0 : i32
        %dma_wait3A_164 = tpu.memref_slice %arg13[%add3A_142, %dma_wait3A_163] : memref<10000x128xf32, #tpu.memory_space<vmem_shared>> -> memref<8x128xf32, #tpu.memory_space<vmem_shared>>
        %dma_wait3A_165 = arith.constant 0 : i32
        %dma_wait3A_166 = arith.constant 0 : i32
        %dma_wait3A_167 = tpu.memref_slice %arg9[%run_scoped3A_143, %dma_wait3A_165, %dma_wait3A_166] : memref<2x128x128xf32, #tpu.memory_space<vmem>> -> memref<1x8x128xf32, #tpu.memory_space<vmem>>
        %dma_wait3A_168 = tpu.memref_squeeze %dma_wait3A_167 : memref<1x8x128xf32, #tpu.memory_space<vmem>> -> memref<8x128xf32, #tpu.memory_space<vmem>>
        tpu.wait_dma2 semaphore(%run_scoped3A_144 : memref<!tpu.dma_semaphore, #tpu.memory_space<semaphore_mem>>) src(%dma_wait3A_168 : memref<8x128xf32, #tpu.memory_space<vmem>>) dst(%dma_wait3A_164 : memref<8x128xf32, #tpu.memory_space<vmem_shared>>)
        tpu.yield
      }) : () -> ()
    } else {
    }
    "tpu.region"() ({
      %run_scoped3A_129 = tpu.sem_alloc : memref<!tpu.dma_semaphore, #tpu.memory_space<semaphore_mem>>
      %dma_start3A_130 = arith.constant 0 : i32
      %dma_start3A_131 = tpu.memref_slice %arg6[%dma_start3A_130] : memref<10008xi32, #tpu.memory_space<vmem>> -> memref<10001xi32, #tpu.memory_space<vmem>>
      %dma_start3A_132 = arith.constant 0 : i32
      %dma_start3A_133 = tpu.memref_slice %arg6[%dma_start3A_132] : memref<10008xi32, #tpu.memory_space<vmem>> -> memref<10001xi32, #tpu.memory_space<vmem>>
      tpu.enqueue_dma source(%arg3 : memref<10001xi32, #tpu.memory_space<hbm>>) target(%dma_start3A_133 : memref<10001xi32, #tpu.memory_space<vmem>>) target_semaphore(%run_scoped3A_129 : memref<!tpu.dma_semaphore, #tpu.memory_space<semaphore_mem>>)
      %dma_wait3A_134 = arith.constant 0 : i32
      %dma_wait3A_135 = tpu.memref_slice %arg6[%dma_wait3A_134] : memref<10008xi32, #tpu.memory_space<vmem>> -> memref<10001xi32, #tpu.memory_space<vmem>>
      %dma_wait3A_136 = arith.constant 0 : i32
      %dma_wait3A_137 = tpu.memref_slice %arg6[%dma_wait3A_136] : memref<10008xi32, #tpu.memory_space<vmem>> -> memref<10001xi32, #tpu.memory_space<vmem>>
      tpu.wait_dma2 semaphore(%run_scoped3A_129 : memref<!tpu.dma_semaphore, #tpu.memory_space<semaphore_mem>>) src(%arg3 : memref<10001xi32, #tpu.memory_space<hbm>>) dst(%dma_wait3A_137 : memref<10001xi32, #tpu.memory_space<vmem>>)
      tpu.yield
    }) : () -> ()
    %barrier3A = arith.constant 0 : index
    tpu.barrier barrier_id(%barrier3A)
    %add3A_18 = arith.constant 0 : i32
    %add3A_19 = arith.addi %mul3A_2, %add3A_18 : i32
    %dma_start3A = arith.constant 0 : i32
    %dma_start3A_20 = arith.constant 0 : i32
    %dma_start3A_21 = tpu.memref_slice %arg7[%dma_start3A, %dma_start3A_20] : memref<2x128xi32, #tpu.memory_space<vmem>> -> memref<1x128xi32, #tpu.memory_space<vmem>>
    %dma_start3A_22 = tpu.memref_squeeze %dma_start3A_21 : memref<1x128xi32, #tpu.memory_space<vmem>> -> memref<128xi32, #tpu.memory_space<vmem>>
    %dma_start3A_23 = tpu.memref_slice %arg4[%add3A_19] : memref<320000xi32, #tpu.memory_space<hbm>> -> memref<128xi32, #tpu.memory_space<hbm>>
    %dma_start3A_24 = arith.constant 0 : i32
    %dma_start3A_25 = tpu.memref_slice %arg7[%dma_start3A, %dma_start3A_24] : memref<2x128xi32, #tpu.memory_space<vmem>> -> memref<1x128xi32, #tpu.memory_space<vmem>>
    %dma_start3A_26 = tpu.memref_squeeze %dma_start3A_25 : memref<1x128xi32, #tpu.memory_space<vmem>> -> memref<128xi32, #tpu.memory_space<vmem>>
    %dma_start3A_27 = tpu.memref_slice %arg4[%add3A_19] : memref<320000xi32, #tpu.memory_space<hbm>> -> memref<128xi32, #tpu.memory_space<hbm>>
    tpu.enqueue_dma source(%dma_start3A_27 : memref<128xi32, #tpu.memory_space<hbm>>) target(%dma_start3A_26 : memref<128xi32, #tpu.memory_space<vmem>>) target_semaphore(%arg15 : memref<!tpu.dma_semaphore, #tpu.memory_space<semaphore_mem>>)
    %add3A_28 = arith.constant 128 : i32
    %add3A_29 = arith.addi %mul3A_2, %add3A_28 : i32
    %dma_start3A_30 = arith.constant 1 : i32
    %dma_start3A_31 = arith.constant 0 : i32
    %dma_start3A_32 = tpu.memref_slice %arg7[%dma_start3A_30, %dma_start3A_31] : memref<2x128xi32, #tpu.memory_space<vmem>> -> memref<1x128xi32, #tpu.memory_space<vmem>>
    %dma_start3A_33 = tpu.memref_squeeze %dma_start3A_32 : memref<1x128xi32, #tpu.memory_space<vmem>> -> memref<128xi32, #tpu.memory_space<vmem>>
    %dma_start3A_34 = tpu.memref_slice %arg4[%add3A_29] : memref<320000xi32, #tpu.memory_space<hbm>> -> memref<128xi32, #tpu.memory_space<hbm>>
    %dma_start3A_35 = arith.constant 0 : i32
    %dma_start3A_36 = tpu.memref_slice %arg7[%dma_start3A_30, %dma_start3A_35] : memref<2x128xi32, #tpu.memory_space<vmem>> -> memref<1x128xi32, #tpu.memory_space<vmem>>
    %dma_start3A_37 = tpu.memref_squeeze %dma_start3A_36 : memref<1x128xi32, #tpu.memory_space<vmem>> -> memref<128xi32, #tpu.memory_space<vmem>>
    %dma_start3A_38 = tpu.memref_slice %arg4[%add3A_29] : memref<320000xi32, #tpu.memory_space<hbm>> -> memref<128xi32, #tpu.memory_space<hbm>>
    tpu.enqueue_dma source(%dma_start3A_38 : memref<128xi32, #tpu.memory_space<hbm>>) target(%dma_start3A_37 : memref<128xi32, #tpu.memory_space<vmem>>) target_semaphore(%arg16 : memref<!tpu.dma_semaphore, #tpu.memory_space<semaphore_mem>>)
    %add3A_39 = arith.constant 9984 : i32
    %add3A_40 = arith.addi %mul3A_2, %add3A_39 : i32
    %dma_start3A_41 = arith.constant 0 : i32
    %dma_start3A_42 = arith.constant 0 : i32
    %dma_start3A_43 = tpu.memref_slice %arg10[%dma_start3A_41, %dma_start3A_42] : memref<1x16xi32, #tpu.memory_space<vmem>> -> memref<1x16xi32, #tpu.memory_space<vmem>>
    %dma_start3A_44 = tpu.memref_squeeze %dma_start3A_43 : memref<1x16xi32, #tpu.memory_space<vmem>> -> memref<16xi32, #tpu.memory_space<vmem>>
    %dma_start3A_45 = tpu.memref_slice %arg4[%add3A_40] : memref<320000xi32, #tpu.memory_space<hbm>> -> memref<16xi32, #tpu.memory_space<hbm>>
    %dma_start3A_46 = arith.constant 0 : i32
    %dma_start3A_47 = tpu.memref_slice %arg10[%dma_start3A_41, %dma_start3A_46] : memref<1x16xi32, #tpu.memory_space<vmem>> -> memref<1x16xi32, #tpu.memory_space<vmem>>
    %dma_start3A_48 = tpu.memref_squeeze %dma_start3A_47 : memref<1x16xi32, #tpu.memory_space<vmem>> -> memref<16xi32, #tpu.memory_space<vmem>>
    %dma_start3A_49 = tpu.memref_slice %arg4[%add3A_40] : memref<320000xi32, #tpu.memory_space<hbm>> -> memref<16xi32, #tpu.memory_space<hbm>>
    tpu.enqueue_dma source(%dma_start3A_49 : memref<16xi32, #tpu.memory_space<hbm>>) target(%dma_start3A_48 : memref<16xi32, #tpu.memory_space<vmem>>) target_semaphore(%arg14 : memref<!tpu.dma_semaphore, #tpu.memory_space<semaphore_mem>>)
    %scan3A_50 = arith.constant 0 : i32
    %scan3A_51 = arith.constant 0 : i32
    %scan3A_52 = arith.constant 39 : i32
    %scan3A_53 = arith.addi %scan3A_51, %scan3A_52 : i32
    %scan3A_54 = arith.constant 1 : i32
    %scan3A_55 = scf.for %scan3A_129 = %scan3A_51 to %scan3A_53 step %scan3A_54 iter_args(%scan3A_130 = %scan3A_50) -> (i32)  : i32 {
      %mul3A_131 = arith.constant 2 : i32
      %mul3A_132 = arith.muli %scan3A_129, %mul3A_131 : i32
      %add3A_133 = arith.constant 0 : i32
      %add3A_134 = arith.addi %mul3A_132, %add3A_133 : i32
      %ge3A = arith.constant 1 : i32
      %ge3A_135 = arith.cmpi sge, %scan3A_129, %ge3A : i32
      %convert_element_type3A_136 = arith.extui %ge3A_135 : i1 to i32
      %cond3A_137 = arith.constant 0 : i32
      %cond3A_138 = arith.cmpi ne, %convert_element_type3A_136, %cond3A_137 : i32
      scf.if %cond3A_138 {
        %dma_wait3A_267 = arith.constant 0 : i32
        %dma_wait3A_268 = arith.constant 0 : i32
        %dma_wait3A_269 = arith.constant 0 : i32
        %dma_wait3A_270 = arith.constant 0 : i32
        %dma_wait3A_271 = tpu.memref_slice %arg9[%dma_wait3A_267, %dma_wait3A_269, %dma_wait3A_270] : memref<2x128x128xf32, #tpu.memory_space<vmem>> -> memref<1x128x128xf32, #tpu.memory_space<vmem>>
        %dma_wait3A_272 = tpu.memref_squeeze %dma_wait3A_271 : memref<1x128x128xf32, #tpu.memory_space<vmem>> -> memref<128x128xf32, #tpu.memory_space<vmem>>
        %dma_wait3A_273 = arith.constant 0 : i32
        %dma_wait3A_274 = tpu.memref_slice %arg8[%dma_wait3A_268, %dma_wait3A_273] : memref<2x128xi32, #tpu.memory_space<vmem>> -> memref<1x128xi32, #tpu.memory_space<vmem>>
        %dma_wait3A_275 = tpu.memref_squeeze %dma_wait3A_274 : memref<1x128xi32, #tpu.memory_space<vmem>> -> memref<128xi32, #tpu.memory_space<vmem>>
        %dma_wait3A_276 = arith.constant 0 : i32
        %dma_wait3A_277 = arith.constant 0 : i32
        %dma_wait3A_278 = tpu.memref_slice %arg13[%dma_wait3A_276, %dma_wait3A_277] : memref<10000x128xf32, #tpu.memory_space<vmem_shared>> -> memref<10000x128xf32, #tpu.memory_space<vmem_shared>>
        tpu.wait_indirect_dma semaphore(%arg19 : memref<!tpu.dma_semaphore, #tpu.memory_space<semaphore_mem>>) src(%dma_wait3A_272 : memref<128x128xf32, #tpu.memory_space<vmem>>) dst(%dma_wait3A_278 : memref<10000x128xf32, #tpu.memory_space<vmem_shared>>)
      } else {
      }
      %dma_wait3A_139 = arith.constant 0 : i32
      %dma_wait3A_140 = arith.constant 0 : i32
      %dma_wait3A_141 = tpu.memref_slice %arg7[%dma_wait3A_139, %dma_wait3A_140] : memref<2x128xi32, #tpu.memory_space<vmem>> -> memref<1x128xi32, #tpu.memory_space<vmem>>
      %dma_wait3A_142 = tpu.memref_squeeze %dma_wait3A_141 : memref<1x128xi32, #tpu.memory_space<vmem>> -> memref<128xi32, #tpu.memory_space<vmem>>
      %dma_wait3A_143 = tpu.memref_slice %arg4[%mul3A_2] : memref<320000xi32, #tpu.memory_space<hbm>> -> memref<128xi32, #tpu.memory_space<hbm>>
      %dma_wait3A_144 = arith.constant 0 : i32
      %dma_wait3A_145 = tpu.memref_slice %arg7[%dma_wait3A_139, %dma_wait3A_144] : memref<2x128xi32, #tpu.memory_space<vmem>> -> memref<1x128xi32, #tpu.memory_space<vmem>>
      %dma_wait3A_146 = tpu.memref_squeeze %dma_wait3A_145 : memref<1x128xi32, #tpu.memory_space<vmem>> -> memref<128xi32, #tpu.memory_space<vmem>>
      %dma_wait3A_147 = tpu.memref_slice %arg4[%mul3A_2] : memref<320000xi32, #tpu.memory_space<hbm>> -> memref<128xi32, #tpu.memory_space<hbm>>
      tpu.wait_dma2 semaphore(%arg15 : memref<!tpu.dma_semaphore, #tpu.memory_space<semaphore_mem>>) src(%dma_wait3A_147 : memref<128xi32, #tpu.memory_space<hbm>>) dst(%dma_wait3A_146 : memref<128xi32, #tpu.memory_space<vmem>>)
      %dma_start3A_148 = arith.constant 0 : i32
      %dma_start3A_149 = arith.constant 0 : i32
      %dma_start3A_150 = arith.constant 0 : i32
      %dma_start3A_151 = arith.constant 0 : i32
      %dma_start3A_152 = tpu.memref_slice %arg9[%dma_start3A_149, %dma_start3A_150, %dma_start3A_151] : memref<2x128x128xf32, #tpu.memory_space<vmem>> -> memref<1x128x128xf32, #tpu.memory_space<vmem>>
      %dma_start3A_153 = tpu.memref_squeeze %dma_start3A_152 : memref<1x128x128xf32, #tpu.memory_space<vmem>> -> memref<128x128xf32, #tpu.memory_space<vmem>>
      %dma_start3A_154 = arith.constant 0 : i32
      %dma_start3A_155 = tpu.memref_slice %arg7[%dma_start3A_148, %dma_start3A_154] : memref<2x128xi32, #tpu.memory_space<vmem>> -> memref<1x128xi32, #tpu.memory_space<vmem>>
      %dma_start3A_156 = tpu.memref_squeeze %dma_start3A_155 : memref<1x128xi32, #tpu.memory_space<vmem>> -> memref<128xi32, #tpu.memory_space<vmem>>
      %dma_start3A_157 = arith.constant 0 : i32
      %dma_start3A_158 = arith.constant 0 : i32
      %dma_start3A_159 = tpu.memref_slice %arg2[%dma_start3A_157, %dma_start3A_158] : memref<10000x128xf32, #tpu.memory_space<hbm>> -> memref<10000x128xf32, #tpu.memory_space<hbm>>
      tpu.enqueue_indirect_dma source(%dma_start3A_159 : memref<10000x128xf32, #tpu.memory_space<hbm>>) target(%dma_start3A_153 : memref<128x128xf32, #tpu.memory_space<vmem>>) offsets(%dma_start3A_156 : memref<128xi32, #tpu.memory_space<vmem>>) semaphore(%arg17 : memref<!tpu.dma_semaphore, #tpu.memory_space<semaphore_mem>>)
      %scan3A_160 = arith.constant 0 : i32
      %scan3A_161 = arith.constant 0 : i32
      %scan3A_162 = arith.constant 8 : i32
      %scan3A_163 = arith.addi %scan3A_161, %scan3A_162 : i32
      %scan3A_164 = arith.constant 1 : i32
      %scan3A_165 = scf.for %scan3A_267 = %scan3A_161 to %scan3A_163 step %scan3A_164 iter_args(%scan3A_268 = %scan3A_160) -> (i32)  : i32 {
        %mul3A_269 = arith.constant 128 : i32
        %mul3A_270 = arith.muli %add3A_134, %mul3A_269 : i32
        %add3A_271 = arith.addi %mul3A_2, %mul3A_270 : i32
        %mul3A_272 = arith.constant 16 : i32
        %mul3A_273 = arith.muli %scan3A_267, %mul3A_272 : i32
        %add3A_274 = arith.addi %add3A_271, %mul3A_273 : i32
        %add3A_275 = vector.broadcast %add3A_274 : i32 to vector<16xi32>
        %add3A_276 = arith.addi %add3A_275, %iota3A : vector<16xi32>
        %broadcast_in_dim3A_277 = arith.constant 0 : i32
        %broadcast_in_dim3A_278 = vector.broadcast %broadcast_in_dim3A_277 : i32 to vector<16xi32>
        %broadcast_in_dim3A_279 = arith.constant 10001 : i32
        %broadcast_in_dim3A_280 = vector.broadcast %broadcast_in_dim3A_279 : i32 to vector<16xi32>
        %scan3A_281 = arith.constant 0 : i32
        %scan3A_282 = arith.constant 14 : i32
        %scan3A_283 = arith.addi %scan3A_281, %scan3A_282 : i32
        %scan3A_284 = arith.constant 1 : i32
        %scan3A_285:2 = scf.for %scan3A_294 = %scan3A_281 to %scan3A_283 step %scan3A_284 iter_args(%scan3A_295 = %broadcast_in_dim3A_278, %scan3A_296 = %broadcast_in_dim3A_280) -> (vector<16xi32>, vector<16xi32>)  : i32 {
          %add3A_297 = arith.addi %scan3A_295, %scan3A_296 : vector<16xi32>
          %shift_right_arithmetic3A = arith.constant 1 : i32
          %shift_right_arithmetic3A_298 = vector.broadcast %shift_right_arithmetic3A : i32 to vector<16xi32>
          %shift_right_arithmetic3A_299 = arith.shrsi %add3A_297, %shift_right_arithmetic3A_298 : vector<16xi32>
          %gather3A = tpu.vector_load_idx %arg6[%shift_right_arithmetic3A_299] : memref<10008xi32, #tpu.memory_space<vmem>>[vector<16xi32>], vector<16xi32>,
          %le3A = arith.cmpi sle, %gather3A, %add3A_276 : vector<16xi32>
          %select_n3A = arith.select %le3A, %shift_right_arithmetic3A_299, %scan3A_295 : vector<16xi1>, vector<16xi32>
          %select_n3A_300 = arith.select %le3A, %scan3A_296, %shift_right_arithmetic3A_299 : vector<16xi1>, vector<16xi32>
          scf.yield %select_n3A, %select_n3A_300 : vector<16xi32>, vector<16xi32>
        }
        %scan3A_286 = arith.constant 14 : i32
        %mul3A_287 = arith.constant 16 : i32
        %mul3A_288 = arith.muli %scan3A_267, %mul3A_287 : i32
        %swap3A_289 = arith.constant 0 : i32
        %swap3A_290 = arith.index_cast %swap3A_289 : i32 to index
        %swap3A_291 = arith.index_cast %mul3A_288 : i32 to index
        %swap3A_292 = tpu.vector_load %arg8[%swap3A_290, %swap3A_291] {strides = array<i32>} : memref<2x128xi32, #tpu.memory_space<vmem>>, vector<16xi32>,
        tpu.vector_store %arg8[%swap3A_290, %swap3A_291], %scan3A_285#0 {strides = array<i32>} : memref<2x128xi32, #tpu.memory_space<vmem>>, vector<16xi32>,
        %scan3A_293 = arith.constant 0 : i32
        scf.yield %scan3A_293 : i32
      }
      %scan3A_166 = arith.constant 8 : i32
      %dma_wait3A_167 = arith.constant 0 : i32
      %dma_wait3A_168 = arith.constant 0 : i32
      %dma_wait3A_169 = arith.constant 0 : i32
      %dma_wait3A_170 = arith.constant 0 : i32
      %dma_wait3A_171 = tpu.memref_slice %arg9[%dma_wait3A_168, %dma_wait3A_169, %dma_wait3A_170] : memref<2x128x128xf32, #tpu.memory_space<vmem>> -> memref<1x128x128xf32, #tpu.memory_space<vmem>>
      %dma_wait3A_172 = tpu.memref_squeeze %dma_wait3A_171 : memref<1x128x128xf32, #tpu.memory_space<vmem>> -> memref<128x128xf32, #tpu.memory_space<vmem>>
      %dma_wait3A_173 = arith.constant 0 : i32
      %dma_wait3A_174 = tpu.memref_slice %arg7[%dma_wait3A_167, %dma_wait3A_173] : memref<2x128xi32, #tpu.memory_space<vmem>> -> memref<1x128xi32, #tpu.memory_space<vmem>>
      %dma_wait3A_175 = tpu.memref_squeeze %dma_wait3A_174 : memref<1x128xi32, #tpu.memory_space<vmem>> -> memref<128xi32, #tpu.memory_space<vmem>>
      %dma_wait3A_176 = arith.constant 0 : i32
      %dma_wait3A_177 = arith.constant 0 : i32
      %dma_wait3A_178 = tpu.memref_slice %arg2[%dma_wait3A_176, %dma_wait3A_177] : memref<10000x128xf32, #tpu.memory_space<hbm>> -> memref<10000x128xf32, #tpu.memory_space<hbm>>
      tpu.wait_indirect_dma semaphore(%arg17 : memref<!tpu.dma_semaphore, #tpu.memory_space<semaphore_mem>>) src(%dma_wait3A_178 : memref<10000x128xf32, #tpu.memory_space<hbm>>) dst(%dma_wait3A_172 : memref<128x128xf32, #tpu.memory_space<vmem>>)
      %add3A_179 = arith.constant 2 : i32
      %add3A_180 = arith.addi %add3A_134, %add3A_179 : i32
      %lt3A_181 = arith.constant 78 : i32
      %lt3A_182 = arith.cmpi slt, %add3A_180, %lt3A_181 : i32
      %convert_element_type3A_183 = arith.extui %lt3A_182 : i1 to i32
      %cond3A_184 = arith.constant 0 : i32
      %cond3A_185 = arith.cmpi ne, %convert_element_type3A_183, %cond3A_184 : i32
      scf.if %cond3A_185 {
        %add3A_267 = arith.constant 2 : i32
        %add3A_268 = arith.addi %add3A_134, %add3A_267 : i32
        %mul3A_269 = arith.constant 128 : i32
        %mul3A_270 = arith.muli %add3A_268, %mul3A_269 : i32
        %add3A_271 = arith.addi %mul3A_2, %mul3A_270 : i32
        %dma_start3A_272 = arith.constant 0 : i32
        %dma_start3A_273 = arith.constant 0 : i32
        %dma_start3A_274 = tpu.memref_slice %arg7[%dma_start3A_272, %dma_start3A_273] : memref<2x128xi32, #tpu.memory_space<vmem>> -> memref<1x128xi32, #tpu.memory_space<vmem>>
        %dma_start3A_275 = tpu.memref_squeeze %dma_start3A_274 : memref<1x128xi32, #tpu.memory_space<vmem>> -> memref<128xi32, #tpu.memory_space<vmem>>
        %dma_start3A_276 = tpu.memref_slice %arg4[%add3A_271] : memref<320000xi32, #tpu.memory_space<hbm>> -> memref<128xi32, #tpu.memory_space<hbm>>
        %dma_start3A_277 = arith.constant 0 : i32
        %dma_start3A_278 = tpu.memref_slice %arg7[%dma_start3A_272, %dma_start3A_277] : memref<2x128xi32, #tpu.memory_space<vmem>> -> memref<1x128xi32, #tpu.memory_space<vmem>>
        %dma_start3A_279 = tpu.memref_squeeze %dma_start3A_278 : memref<1x128xi32, #tpu.memory_space<vmem>> -> memref<128xi32, #tpu.memory_space<vmem>>
        %dma_start3A_280 = tpu.memref_slice %arg4[%add3A_271] : memref<320000xi32, #tpu.memory_space<hbm>> -> memref<128xi32, #tpu.memory_space<hbm>>
        tpu.enqueue_dma source(%dma_start3A_280 : memref<128xi32, #tpu.memory_space<hbm>>) target(%dma_start3A_279 : memref<128xi32, #tpu.memory_space<vmem>>) target_semaphore(%arg15 : memref<!tpu.dma_semaphore, #tpu.memory_space<semaphore_mem>>)
      } else {
      }
      %dma_start3A_186 = arith.constant 0 : i32
      %dma_start3A_187 = arith.constant 0 : i32
      %dma_start3A_188 = arith.constant 0 : i32
      %dma_start3A_189 = arith.constant 0 : i32
      %dma_start3A_190 = tpu.memref_slice %arg9[%dma_start3A_186, %dma_start3A_188, %dma_start3A_189] : memref<2x128x128xf32, #tpu.memory_space<vmem>> -> memref<1x128x128xf32, #tpu.memory_space<vmem>>
      %dma_start3A_191 = tpu.memref_squeeze %dma_start3A_190 : memref<1x128x128xf32, #tpu.memory_space<vmem>> -> memref<128x128xf32, #tpu.memory_space<vmem>>
      %dma_start3A_192 = arith.constant 0 : i32
      %dma_start3A_193 = tpu.memref_slice %arg8[%dma_start3A_187, %dma_start3A_192] : memref<2x128xi32, #tpu.memory_space<vmem>> -> memref<1x128xi32, #tpu.memory_space<vmem>>
      %dma_start3A_194 = tpu.memref_squeeze %dma_start3A_193 : memref<1x128xi32, #tpu.memory_space<vmem>> -> memref<128xi32, #tpu.memory_space<vmem>>
      %dma_start3A_195 = arith.constant 0 : i32
      %dma_start3A_196 = arith.constant 0 : i32
      %dma_start3A_197 = tpu.memref_slice %arg13[%dma_start3A_195, %dma_start3A_196] : memref<10000x128xf32, #tpu.memory_space<vmem_shared>> -> memref<10000x128xf32, #tpu.memory_space<vmem_shared>>
      tpu.enqueue_indirect_dma source(%dma_start3A_191 : memref<128x128xf32, #tpu.memory_space<vmem>>) target(%dma_start3A_197 : memref<10000x128xf32, #tpu.memory_space<vmem_shared>>) offsets(%dma_start3A_194 : memref<128xi32, #tpu.memory_space<vmem>>) semaphore(%arg19 : memref<!tpu.dma_semaphore, #tpu.memory_space<semaphore_mem>>) {add = true}
      %mul3A_198 = arith.constant 2 : i32
      %mul3A_199 = arith.muli %scan3A_129, %mul3A_198 : i32
      %add3A_200 = arith.constant 1 : i32
      %add3A_201 = arith.addi %mul3A_199, %add3A_200 : i32
      %ge3A_202 = arith.constant 1 : i32
      %ge3A_203 = arith.cmpi sge, %scan3A_129, %ge3A_202 : i32
      %convert_element_type3A_204 = arith.extui %ge3A_203 : i1 to i32
      %cond3A_205 = arith.constant 0 : i32
      %cond3A_206 = arith.cmpi ne, %convert_element_type3A_204, %cond3A_205 : i32
      scf.if %cond3A_206 {
        %dma_wait3A_267 = arith.constant 1 : i32
        %dma_wait3A_268 = arith.constant 1 : i32
        %dma_wait3A_269 = arith.constant 0 : i32
        %dma_wait3A_270 = arith.constant 0 : i32
        %dma_wait3A_271 = tpu.memref_slice %arg9[%dma_wait3A_267, %dma_wait3A_269, %dma_wait3A_270] : memref<2x128x128xf32, #tpu.memory_space<vmem>> -> memref<1x128x128xf32, #tpu.memory_space<vmem>>
        %dma_wait3A_272 = tpu.memref_squeeze %dma_wait3A_271 : memref<1x128x128xf32, #tpu.memory_space<vmem>> -> memref<128x128xf32, #tpu.memory_space<vmem>>
        %dma_wait3A_273 = arith.constant 0 : i32
        %dma_wait3A_274 = tpu.memref_slice %arg8[%dma_wait3A_268, %dma_wait3A_273] : memref<2x128xi32, #tpu.memory_space<vmem>> -> memref<1x128xi32, #tpu.memory_space<vmem>>
        %dma_wait3A_275 = tpu.memref_squeeze %dma_wait3A_274 : memref<1x128xi32, #tpu.memory_space<vmem>> -> memref<128xi32, #tpu.memory_space<vmem>>
        %dma_wait3A_276 = arith.constant 0 : i32
        %dma_wait3A_277 = arith.constant 0 : i32
        %dma_wait3A_278 = tpu.memref_slice %arg13[%dma_wait3A_276, %dma_wait3A_277] : memref<10000x128xf32, #tpu.memory_space<vmem_shared>> -> memref<10000x128xf32, #tpu.memory_space<vmem_shared>>
        tpu.wait_indirect_dma semaphore(%arg20 : memref<!tpu.dma_semaphore, #tpu.memory_space<semaphore_mem>>) src(%dma_wait3A_272 : memref<128x128xf32, #tpu.memory_space<vmem>>) dst(%dma_wait3A_278 : memref<10000x128xf32, #tpu.memory_space<vmem_shared>>)
      } else {
      }
      %dma_wait3A_207 = arith.constant 1 : i32
      %dma_wait3A_208 = arith.constant 0 : i32
      %dma_wait3A_209 = tpu.memref_slice %arg7[%dma_wait3A_207, %dma_wait3A_208] : memref<2x128xi32, #tpu.memory_space<vmem>> -> memref<1x128xi32, #tpu.memory_space<vmem>>
      %dma_wait3A_210 = tpu.memref_squeeze %dma_wait3A_209 : memref<1x128xi32, #tpu.memory_space<vmem>> -> memref<128xi32, #tpu.memory_space<vmem>>
      %dma_wait3A_211 = tpu.memref_slice %arg4[%mul3A_2] : memref<320000xi32, #tpu.memory_space<hbm>> -> memref<128xi32, #tpu.memory_space<hbm>>
      %dma_wait3A_212 = arith.constant 0 : i32
      %dma_wait3A_213 = tpu.memref_slice %arg7[%dma_wait3A_207, %dma_wait3A_212] : memref<2x128xi32, #tpu.memory_space<vmem>> -> memref<1x128xi32, #tpu.memory_space<vmem>>
      %dma_wait3A_214 = tpu.memref_squeeze %dma_wait3A_213 : memref<1x128xi32, #tpu.memory_space<vmem>> -> memref<128xi32, #tpu.memory_space<vmem>>
      %dma_wait3A_215 = tpu.memref_slice %arg4[%mul3A_2] : memref<320000xi32, #tpu.memory_space<hbm>> -> memref<128xi32, #tpu.memory_space<hbm>>
      tpu.wait_dma2 semaphore(%arg16 : memref<!tpu.dma_semaphore, #tpu.memory_space<semaphore_mem>>) src(%dma_wait3A_215 : memref<128xi32, #tpu.memory_space<hbm>>) dst(%dma_wait3A_214 : memref<128xi32, #tpu.memory_space<vmem>>)
      %dma_start3A_216 = arith.constant 1 : i32
      %dma_start3A_217 = arith.constant 1 : i32
      %dma_start3A_218 = arith.constant 0 : i32
      %dma_start3A_219 = arith.constant 0 : i32
      %dma_start3A_220 = tpu.memref_slice %arg9[%dma_start3A_217, %dma_start3A_218, %dma_start3A_219] : memref<2x128x128xf32, #tpu.memory_space<vmem>> -> memref<1x128x128xf32, #tpu.memory_space<vmem>>
      %dma_start3A_221 = tpu.memref_squeeze %dma_start3A_220 : memref<1x128x128xf32, #tpu.memory_space<vmem>> -> memref<128x128xf32, #tpu.memory_space<vmem>>
      %dma_start3A_222 = arith.constant 0 : i32
      %dma_start3A_223 = tpu.memref_slice %arg7[%dma_start3A_216, %dma_start3A_222] : memref<2x128xi32, #tpu.memory_space<vmem>> -> memref<1x128xi32, #tpu.memory_space<vmem>>
      %dma_start3A_224 = tpu.memref_squeeze %dma_start3A_223 : memref<1x128xi32, #tpu.memory_space<vmem>> -> memref<128xi32, #tpu.memory_space<vmem>>
      %dma_start3A_225 = arith.constant 0 : i32
      %dma_start3A_226 = arith.constant 0 : i32
      %dma_start3A_227 = tpu.memref_slice %arg2[%dma_start3A_225, %dma_start3A_226] : memref<10000x128xf32, #tpu.memory_space<hbm>> -> memref<10000x128xf32, #tpu.memory_space<hbm>>
      tpu.enqueue_indirect_dma source(%dma_start3A_227 : memref<10000x128xf32, #tpu.memory_space<hbm>>) target(%dma_start3A_221 : memref<128x128xf32, #tpu.memory_space<vmem>>) offsets(%dma_start3A_224 : memref<128xi32, #tpu.memory_space<vmem>>) semaphore(%arg18 : memref<!tpu.dma_semaphore, #tpu.memory_space<semaphore_mem>>)
      %scan3A_228 = arith.constant 0 : i32
      %scan3A_229 = arith.constant 0 : i32
      %scan3A_230 = arith.constant 8 : i32
      %scan3A_231 = arith.addi %scan3A_229, %scan3A_230 : i32
      %scan3A_232 = arith.constant 1 : i32
      %scan3A_233 = scf.for %scan3A_267 = %scan3A_229 to %scan3A_231 step %scan3A_232 iter_args(%scan3A_268 = %scan3A_228) -> (i32)  : i32 {
        %mul3A_269 = arith.constant 128 : i32
        %mul3A_270 = arith.muli %add3A_201, %mul3A_269 : i32
        %add3A_271 = arith.addi %mul3A_2, %mul3A_270 : i32
        %mul3A_272 = arith.constant 16 : i32
        %mul3A_273 = arith.muli %scan3A_267, %mul3A_272 : i32
        %add3A_274 = arith.addi %add3A_271, %mul3A_273 : i32
        %add3A_275 = vector.broadcast %add3A_274 : i32 to vector<16xi32>
        %add3A_276 = arith.addi %add3A_275, %iota3A : vector<16xi32>
        %broadcast_in_dim3A_277 = arith.constant 0 : i32
        %broadcast_in_dim3A_278 = vector.broadcast %broadcast_in_dim3A_277 : i32 to vector<16xi32>
        %broadcast_in_dim3A_279 = arith.constant 10001 : i32
        %broadcast_in_dim3A_280 = vector.broadcast %broadcast_in_dim3A_279 : i32 to vector<16xi32>
        %scan3A_281 = arith.constant 0 : i32
        %scan3A_282 = arith.constant 14 : i32
        %scan3A_283 = arith.addi %scan3A_281, %scan3A_282 : i32
        %scan3A_284 = arith.constant 1 : i32
        %scan3A_285:2 = scf.for %scan3A_294 = %scan3A_281 to %scan3A_283 step %scan3A_284 iter_args(%scan3A_295 = %broadcast_in_dim3A_278, %scan3A_296 = %broadcast_in_dim3A_280) -> (vector<16xi32>, vector<16xi32>)  : i32 {
          %add3A_297 = arith.addi %scan3A_295, %scan3A_296 : vector<16xi32>
          %shift_right_arithmetic3A = arith.constant 1 : i32
          %shift_right_arithmetic3A_298 = vector.broadcast %shift_right_arithmetic3A : i32 to vector<16xi32>
          %shift_right_arithmetic3A_299 = arith.shrsi %add3A_297, %shift_right_arithmetic3A_298 : vector<16xi32>
          %gather3A = tpu.vector_load_idx %arg6[%shift_right_arithmetic3A_299] : memref<10008xi32, #tpu.memory_space<vmem>>[vector<16xi32>], vector<16xi32>,
          %le3A = arith.cmpi sle, %gather3A, %add3A_276 : vector<16xi32>
          %select_n3A = arith.select %le3A, %shift_right_arithmetic3A_299, %scan3A_295 : vector<16xi1>, vector<16xi32>
          %select_n3A_300 = arith.select %le3A, %scan3A_296, %shift_right_arithmetic3A_299 : vector<16xi1>, vector<16xi32>
          scf.yield %select_n3A, %select_n3A_300 : vector<16xi32>, vector<16xi32>
        }
        %scan3A_286 = arith.constant 14 : i32
        %mul3A_287 = arith.constant 16 : i32
        %mul3A_288 = arith.muli %scan3A_267, %mul3A_287 : i32
        %swap3A_289 = arith.constant 1 : i32
        %swap3A_290 = arith.index_cast %swap3A_289 : i32 to index
        %swap3A_291 = arith.index_cast %mul3A_288 : i32 to index
        %swap3A_292 = tpu.vector_load %arg8[%swap3A_290, %swap3A_291] {strides = array<i32>} : memref<2x128xi32, #tpu.memory_space<vmem>>, vector<16xi32>,
        tpu.vector_store %arg8[%swap3A_290, %swap3A_291], %scan3A_285#0 {strides = array<i32>} : memref<2x128xi32, #tpu.memory_space<vmem>>, vector<16xi32>,
        %scan3A_293 = arith.constant 0 : i32
        scf.yield %scan3A_293 : i32
      }
      %scan3A_234 = arith.constant 8 : i32
      %dma_wait3A_235 = arith.constant 1 : i32
      %dma_wait3A_236 = arith.constant 1 : i32
      %dma_wait3A_237 = arith.constant 0 : i32
      %dma_wait3A_238 = arith.constant 0 : i32
      %dma_wait3A_239 = tpu.memref_slice %arg9[%dma_wait3A_236, %dma_wait3A_237, %dma_wait3A_238] : memref<2x128x128xf32, #tpu.memory_space<vmem>> -> memref<1x128x128xf32, #tpu.memory_space<vmem>>
      %dma_wait3A_240 = tpu.memref_squeeze %dma_wait3A_239 : memref<1x128x128xf32, #tpu.memory_space<vmem>> -> memref<128x128xf32, #tpu.memory_space<vmem>>
      %dma_wait3A_241 = arith.constant 0 : i32
      %dma_wait3A_242 = tpu.memref_slice %arg7[%dma_wait3A_235, %dma_wait3A_241] : memref<2x128xi32, #tpu.memory_space<vmem>> -> memref<1x128xi32, #tpu.memory_space<vmem>>
      %dma_wait3A_243 = tpu.memref_squeeze %dma_wait3A_242 : memref<1x128xi32, #tpu.memory_space<vmem>> -> memref<128xi32, #tpu.memory_space<vmem>>
      %dma_wait3A_244 = arith.constant 0 : i32
      %dma_wait3A_245 = arith.constant 0 : i32
      %dma_wait3A_246 = tpu.memref_slice %arg2[%dma_wait3A_244, %dma_wait3A_245] : memref<10000x128xf32, #tpu.memory_space<hbm>> -> memref<10000x128xf32, #tpu.memory_space<hbm>>
      tpu.wait_indirect_dma semaphore(%arg18 : memref<!tpu.dma_semaphore, #tpu.memory_space<semaphore_mem>>) src(%dma_wait3A_246 : memref<10000x128xf32, #tpu.memory_space<hbm>>) dst(%dma_wait3A_240 : memref<128x128xf32, #tpu.memory_space<vmem>>)
      %add3A_247 = arith.constant 2 : i32
      %add3A_248 = arith.addi %add3A_201, %add3A_247 : i32
      %lt3A_249 = arith.constant 78 : i32
      %lt3A_250 = arith.cmpi slt, %add3A_248, %lt3A_249 : i32
      %convert_element_type3A_251 = arith.extui %lt3A_250 : i1 to i32
      %cond3A_252 = arith.constant 0 : i32
      %cond3A_253 = arith.cmpi ne, %convert_element_type3A_251, %cond3A_252 : i32
      scf.if %cond3A_253 {
        %add3A_267 = arith.constant 2 : i32
        %add3A_268 = arith.addi %add3A_201, %add3A_267 : i32
        %mul3A_269 = arith.constant 128 : i32
        %mul3A_270 = arith.muli %add3A_268, %mul3A_269 : i32
        %add3A_271 = arith.addi %mul3A_2, %mul3A_270 : i32
        %dma_start3A_272 = arith.constant 1 : i32
        %dma_start3A_273 = arith.constant 0 : i32
        %dma_start3A_274 = tpu.memref_slice %arg7[%dma_start3A_272, %dma_start3A_273] : memref<2x128xi32, #tpu.memory_space<vmem>> -> memref<1x128xi32, #tpu.memory_space<vmem>>
        %dma_start3A_275 = tpu.memref_squeeze %dma_start3A_274 : memref<1x128xi32, #tpu.memory_space<vmem>> -> memref<128xi32, #tpu.memory_space<vmem>>
        %dma_start3A_276 = tpu.memref_slice %arg4[%add3A_271] : memref<320000xi32, #tpu.memory_space<hbm>> -> memref<128xi32, #tpu.memory_space<hbm>>
        %dma_start3A_277 = arith.constant 0 : i32
        %dma_start3A_278 = tpu.memref_slice %arg7[%dma_start3A_272, %dma_start3A_277] : memref<2x128xi32, #tpu.memory_space<vmem>> -> memref<1x128xi32, #tpu.memory_space<vmem>>
        %dma_start3A_279 = tpu.memref_squeeze %dma_start3A_278 : memref<1x128xi32, #tpu.memory_space<vmem>> -> memref<128xi32, #tpu.memory_space<vmem>>
        %dma_start3A_280 = tpu.memref_slice %arg4[%add3A_271] : memref<320000xi32, #tpu.memory_space<hbm>> -> memref<128xi32, #tpu.memory_space<hbm>>
        tpu.enqueue_dma source(%dma_start3A_280 : memref<128xi32, #tpu.memory_space<hbm>>) target(%dma_start3A_279 : memref<128xi32, #tpu.memory_space<vmem>>) target_semaphore(%arg16 : memref<!tpu.dma_semaphore, #tpu.memory_space<semaphore_mem>>)
      } else {
      }
      %dma_start3A_254 = arith.constant 1 : i32
      %dma_start3A_255 = arith.constant 1 : i32
      %dma_start3A_256 = arith.constant 0 : i32
      %dma_start3A_257 = arith.constant 0 : i32
      %dma_start3A_258 = tpu.memref_slice %arg9[%dma_start3A_254, %dma_start3A_256, %dma_start3A_257] : memref<2x128x128xf32, #tpu.memory_space<vmem>> -> memref<1x128x128xf32, #tpu.memory_space<vmem>>
      %dma_start3A_259 = tpu.memref_squeeze %dma_start3A_258 : memref<1x128x128xf32, #tpu.memory_space<vmem>> -> memref<128x128xf32, #tpu.memory_space<vmem>>
      %dma_start3A_260 = arith.constant 0 : i32
      %dma_start3A_261 = tpu.memref_slice %arg8[%dma_start3A_255, %dma_start3A_260] : memref<2x128xi32, #tpu.memory_space<vmem>> -> memref<1x128xi32, #tpu.memory_space<vmem>>
      %dma_start3A_262 = tpu.memref_squeeze %dma_start3A_261 : memref<1x128xi32, #tpu.memory_space<vmem>> -> memref<128xi32, #tpu.memory_space<vmem>>
      %dma_start3A_263 = arith.constant 0 : i32
      %dma_start3A_264 = arith.constant 0 : i32
      %dma_start3A_265 = tpu.memref_slice %arg13[%dma_start3A_263, %dma_start3A_264] : memref<10000x128xf32, #tpu.memory_space<vmem_shared>> -> memref<10000x128xf32, #tpu.memory_space<vmem_shared>>
      tpu.enqueue_indirect_dma source(%dma_start3A_259 : memref<128x128xf32, #tpu.memory_space<vmem>>) target(%dma_start3A_265 : memref<10000x128xf32, #tpu.memory_space<vmem_shared>>) offsets(%dma_start3A_262 : memref<128xi32, #tpu.memory_space<vmem>>) semaphore(%arg20 : memref<!tpu.dma_semaphore, #tpu.memory_space<semaphore_mem>>) {add = true}
      %scan3A_266 = arith.constant 0 : i32
      scf.yield %scan3A_266 : i32
    }
    %scan3A_56 = arith.constant 39 : i32
    %dma_wait3A = arith.constant 0 : i32
    %dma_wait3A_57 = arith.constant 0 : i32
    %dma_wait3A_58 = arith.constant 0 : i32
    %dma_wait3A_59 = arith.constant 0 : i32
    %dma_wait3A_60 = tpu.memref_slice %arg9[%dma_wait3A, %dma_wait3A_58, %dma_wait3A_59] : memref<2x128x128xf32, #tpu.memory_space<vmem>> -> memref<1x128x128xf32, #tpu.memory_space<vmem>>
    %dma_wait3A_61 = tpu.memref_squeeze %dma_wait3A_60 : memref<1x128x128xf32, #tpu.memory_space<vmem>> -> memref<128x128xf32, #tpu.memory_space<vmem>>
    %dma_wait3A_62 = arith.constant 0 : i32
    %dma_wait3A_63 = tpu.memref_slice %arg8[%dma_wait3A_57, %dma_wait3A_62] : memref<2x128xi32, #tpu.memory_space<vmem>> -> memref<1x128xi32, #tpu.memory_space<vmem>>
    %dma_wait3A_64 = tpu.memref_squeeze %dma_wait3A_63 : memref<1x128xi32, #tpu.memory_space<vmem>> -> memref<128xi32, #tpu.memory_space<vmem>>
    %dma_wait3A_65 = arith.constant 0 : i32
    %dma_wait3A_66 = arith.constant 0 : i32
    %dma_wait3A_67 = tpu.memref_slice %arg13[%dma_wait3A_65, %dma_wait3A_66] : memref<10000x128xf32, #tpu.memory_space<vmem_shared>> -> memref<10000x128xf32, #tpu.memory_space<vmem_shared>>
    tpu.wait_indirect_dma semaphore(%arg19 : memref<!tpu.dma_semaphore, #tpu.memory_space<semaphore_mem>>) src(%dma_wait3A_61 : memref<128x128xf32, #tpu.memory_space<vmem>>) dst(%dma_wait3A_67 : memref<10000x128xf32, #tpu.memory_space<vmem_shared>>)
    %dma_wait3A_68 = arith.constant 1 : i32
    %dma_wait3A_69 = arith.constant 1 : i32
    %dma_wait3A_70 = arith.constant 0 : i32
    %dma_wait3A_71 = arith.constant 0 : i32
    %dma_wait3A_72 = tpu.memref_slice %arg9[%dma_wait3A_68, %dma_wait3A_70, %dma_wait3A_71] : memref<2x128x128xf32, #tpu.memory_space<vmem>> -> memref<1x128x128xf32, #tpu.memory_space<vmem>>
    %dma_wait3A_73 = tpu.memref_squeeze %dma_wait3A_72 : memref<1x128x128xf32, #tpu.memory_space<vmem>> -> memref<128x128xf32, #tpu.memory_space<vmem>>
    %dma_wait3A_74 = arith.constant 0 : i32
    %dma_wait3A_75 = tpu.memref_slice %arg8[%dma_wait3A_69, %dma_wait3A_74] : memref<2x128xi32, #tpu.memory_space<vmem>> -> memref<1x128xi32, #tpu.memory_space<vmem>>
    %dma_wait3A_76 = tpu.memref_squeeze %dma_wait3A_75 : memref<1x128xi32, #tpu.memory_space<vmem>> -> memref<128xi32, #tpu.memory_space<vmem>>
    %dma_wait3A_77 = arith.constant 0 : i32
    %dma_wait3A_78 = arith.constant 0 : i32
    %dma_wait3A_79 = tpu.memref_slice %arg13[%dma_wait3A_77, %dma_wait3A_78] : memref<10000x128xf32, #tpu.memory_space<vmem_shared>> -> memref<10000x128xf32, #tpu.memory_space<vmem_shared>>
    tpu.wait_indirect_dma semaphore(%arg20 : memref<!tpu.dma_semaphore, #tpu.memory_space<semaphore_mem>>) src(%dma_wait3A_73 : memref<128x128xf32, #tpu.memory_space<vmem>>) dst(%dma_wait3A_79 : memref<10000x128xf32, #tpu.memory_space<vmem_shared>>)
    %dma_wait3A_80 = arith.constant 0 : i32
    %dma_wait3A_81 = arith.constant 0 : i32
    %dma_wait3A_82 = tpu.memref_slice %arg10[%dma_wait3A_80, %dma_wait3A_81] : memref<1x16xi32, #tpu.memory_space<vmem>> -> memref<1x16xi32, #tpu.memory_space<vmem>>
    %dma_wait3A_83 = tpu.memref_squeeze %dma_wait3A_82 : memref<1x16xi32, #tpu.memory_space<vmem>> -> memref<16xi32, #tpu.memory_space<vmem>>
    %dma_wait3A_84 = tpu.memref_slice %arg4[%add3A_40] : memref<320000xi32, #tpu.memory_space<hbm>> -> memref<16xi32, #tpu.memory_space<hbm>>
    %dma_wait3A_85 = arith.constant 0 : i32
    %dma_wait3A_86 = tpu.memref_slice %arg10[%dma_wait3A_80, %dma_wait3A_85] : memref<1x16xi32, #tpu.memory_space<vmem>> -> memref<1x16xi32, #tpu.memory_space<vmem>>
    %dma_wait3A_87 = tpu.memref_squeeze %dma_wait3A_86 : memref<1x16xi32, #tpu.memory_space<vmem>> -> memref<16xi32, #tpu.memory_space<vmem>>
    %dma_wait3A_88 = tpu.memref_slice %arg4[%add3A_40] : memref<320000xi32, #tpu.memory_space<hbm>> -> memref<16xi32, #tpu.memory_space<hbm>>
    tpu.wait_dma2 semaphore(%arg14 : memref<!tpu.dma_semaphore, #tpu.memory_space<semaphore_mem>>) src(%dma_wait3A_88 : memref<16xi32, #tpu.memory_space<hbm>>) dst(%dma_wait3A_87 : memref<16xi32, #tpu.memory_space<vmem>>)
    %dma_start3A_89 = arith.constant 0 : i32
    %dma_start3A_90 = arith.constant 0 : i32
    %dma_start3A_91 = tpu.memref_slice %arg10[%dma_start3A_89, %dma_start3A_90] : memref<1x16xi32, #tpu.memory_space<vmem>> -> memref<1x16xi32, #tpu.memory_space<vmem>>
    %dma_start3A_92 = tpu.memref_squeeze %dma_start3A_91 : memref<1x16xi32, #tpu.memory_space<vmem>> -> memref<16xi32, #tpu.memory_space<vmem>>
    %dma_start3A_93 = arith.constant 0 : i32
    %dma_start3A_94 = arith.constant 0 : i32
    %dma_start3A_95 = tpu.memref_slice %arg2[%dma_start3A_93, %dma_start3A_94] : memref<10000x128xf32, #tpu.memory_space<hbm>> -> memref<10000x128xf32, #tpu.memory_space<hbm>>
    tpu.enqueue_indirect_dma source(%dma_start3A_95 : memref<10000x128xf32, #tpu.memory_space<hbm>>) target(%arg12 : memref<16x128xf32, #tpu.memory_space<vmem>>) offsets(%dma_start3A_92 : memref<16xi32, #tpu.memory_space<vmem>>) semaphore(%arg14 : memref<!tpu.dma_semaphore, #tpu.memory_space<semaphore_mem>>)
    %add3A_96 = vector.broadcast %add3A_40 : i32 to vector<16xi32>
    %add3A_97 = arith.addi %add3A_96, %iota3A : vector<16xi32>
    %broadcast_in_dim3A_98 = arith.constant 0 : i32
    %broadcast_in_dim3A_99 = vector.broadcast %broadcast_in_dim3A_98 : i32 to vector<16xi32>
    %broadcast_in_dim3A_100 = arith.constant 10001 : i32
    %broadcast_in_dim3A_101 = vector.broadcast %broadcast_in_dim3A_100 : i32 to vector<16xi32>
    %scan3A_102 = arith.constant 0 : i32
    %scan3A_103 = arith.constant 14 : i32
    %scan3A_104 = arith.addi %scan3A_102, %scan3A_103 : i32
    %scan3A_105 = arith.constant 1 : i32
    %scan3A_106:2 = scf.for %scan3A_129 = %scan3A_102 to %scan3A_104 step %scan3A_105 iter_args(%scan3A_130 = %broadcast_in_dim3A_99, %scan3A_131 = %broadcast_in_dim3A_101) -> (vector<16xi32>, vector<16xi32>)  : i32 {
      %add3A_132 = arith.addi %scan3A_130, %scan3A_131 : vector<16xi32>
      %shift_right_arithmetic3A = arith.constant 1 : i32
      %shift_right_arithmetic3A_133 = vector.broadcast %shift_right_arithmetic3A : i32 to vector<16xi32>
      %shift_right_arithmetic3A_134 = arith.shrsi %add3A_132, %shift_right_arithmetic3A_133 : vector<16xi32>
      %gather3A = tpu.vector_load_idx %arg6[%shift_right_arithmetic3A_134] : memref<10008xi32, #tpu.memory_space<vmem>>[vector<16xi32>], vector<16xi32>,
      %le3A = arith.cmpi sle, %gather3A, %add3A_97 : vector<16xi32>
      %select_n3A = arith.select %le3A, %shift_right_arithmetic3A_134, %scan3A_130 : vector<16xi1>, vector<16xi32>
      %select_n3A_135 = arith.select %le3A, %scan3A_131, %shift_right_arithmetic3A_134 : vector<16xi1>, vector<16xi32>
      scf.yield %select_n3A, %select_n3A_135 : vector<16xi32>, vector<16xi32>
    }
    %scan3A_107 = arith.constant 14 : i32
    %swap3A = arith.constant 0 : i32
    %swap3A_108 = arith.index_cast %swap3A : i32 to index
    %swap3A_109 = arith.constant 0 : index
    %swap3A_110 = tpu.vector_load %arg11[%swap3A_108, %swap3A_109] {strides = array<i32>} : memref<1x16xi32, #tpu.memory_space<vmem>>, vector<16xi32>,
    tpu.vector_store %arg11[%swap3A_108, %swap3A_109], %scan3A_106#0 {strides = array<i32>} : memref<1x16xi32, #tpu.memory_space<vmem>>, vector<16xi32>,
    %dma_wait3A_111 = arith.constant 0 : i32
    %dma_wait3A_112 = arith.constant 0 : i32
    %dma_wait3A_113 = tpu.memref_slice %arg10[%dma_wait3A_111, %dma_wait3A_112] : memref<1x16xi32, #tpu.memory_space<vmem>> -> memref<1x16xi32, #tpu.memory_space<vmem>>
    %dma_wait3A_114 = tpu.memref_squeeze %dma_wait3A_113 : memref<1x16xi32, #tpu.memory_space<vmem>> -> memref<16xi32, #tpu.memory_space<vmem>>
    %dma_wait3A_115 = arith.constant 0 : i32
    %dma_wait3A_116 = arith.constant 0 : i32
    %dma_wait3A_117 = tpu.memref_slice %arg2[%dma_wait3A_115, %dma_wait3A_116] : memref<10000x128xf32, #tpu.memory_space<hbm>> -> memref<10000x128xf32, #tpu.memory_space<hbm>>
    tpu.wait_indirect_dma semaphore(%arg14 : memref<!tpu.dma_semaphore, #tpu.memory_space<semaphore_mem>>) src(%dma_wait3A_117 : memref<10000x128xf32, #tpu.memory_space<hbm>>) dst(%arg12 : memref<16x128xf32, #tpu.memory_space<vmem>>)
    %run_scoped3A = arith.constant 0 : i32
    "tpu.region"() ({
      %run_scoped3A_129 = tpu.sem_alloc : memref<!tpu.dma_semaphore, #tpu.memory_space<semaphore_mem>>
      %dma_start3A_130 = arith.constant 0 : i32
      %dma_start3A_131 = tpu.memref_slice %arg11[%run_scoped3A, %dma_start3A_130] : memref<1x16xi32, #tpu.memory_space<vmem>> -> memref<1x16xi32, #tpu.memory_space<vmem>>
      %dma_start3A_132 = tpu.memref_squeeze %dma_start3A_131 : memref<1x16xi32, #tpu.memory_space<vmem>> -> memref<16xi32, #tpu.memory_space<vmem>>
      %dma_start3A_133 = arith.constant 0 : i32
      %dma_start3A_134 = arith.constant 0 : i32
      %dma_start3A_135 = tpu.memref_slice %arg13[%dma_start3A_133, %dma_start3A_134] : memref<10000x128xf32, #tpu.memory_space<vmem_shared>> -> memref<10000x128xf32, #tpu.memory_space<vmem_shared>>
      tpu.enqueue_indirect_dma source(%arg12 : memref<16x128xf32, #tpu.memory_space<vmem>>) target(%dma_start3A_135 : memref<10000x128xf32, #tpu.memory_space<vmem_shared>>) offsets(%dma_start3A_132 : memref<16xi32, #tpu.memory_space<vmem>>) semaphore(%run_scoped3A_129 : memref<!tpu.dma_semaphore, #tpu.memory_space<semaphore_mem>>) {add = true}
      %dma_wait3A_136 = arith.constant 0 : i32
      %dma_wait3A_137 = tpu.memref_slice %arg11[%run_scoped3A, %dma_wait3A_136] : memref<1x16xi32, #tpu.memory_space<vmem>> -> memref<1x16xi32, #tpu.memory_space<vmem>>
      %dma_wait3A_138 = tpu.memref_squeeze %dma_wait3A_137 : memref<1x16xi32, #tpu.memory_space<vmem>> -> memref<16xi32, #tpu.memory_space<vmem>>
      %dma_wait3A_139 = arith.constant 0 : i32
      %dma_wait3A_140 = arith.constant 0 : i32
      %dma_wait3A_141 = tpu.memref_slice %arg13[%dma_wait3A_139, %dma_wait3A_140] : memref<10000x128xf32, #tpu.memory_space<vmem_shared>> -> memref<10000x128xf32, #tpu.memory_space<vmem_shared>>
      tpu.wait_indirect_dma semaphore(%run_scoped3A_129 : memref<!tpu.dma_semaphore, #tpu.memory_space<semaphore_mem>>) src(%arg12 : memref<16x128xf32, #tpu.memory_space<vmem>>) dst(%dma_wait3A_141 : memref<10000x128xf32, #tpu.memory_space<vmem_shared>>)
      tpu.yield
    }) : () -> ()
    %barrier3A_118 = arith.constant 0 : index
    tpu.barrier barrier_id(%barrier3A_118)
    %lt3A_119 = arith.constant 15 : i32
    %lt3A_120 = arith.cmpi slt, %arg1, %lt3A_119 : i32
    %convert_element_type3A_121 = arith.extui %lt3A_120 : i1 to i32
    %cond3A_122 = arith.constant 0 : i32
    %cond3A_123 = arith.cmpi ne, %convert_element_type3A_121, %cond3A_122 : i32
    scf.if %cond3A_123 {
      %mul3A_129 = arith.constant 632 : i32
      %mul3A_130 = arith.muli %arg1, %mul3A_129 : i32
      %mul3A_131 = arith.constant 632 : i32
      %mul3A_132 = arith.muli %arg1, %mul3A_131 : i32
      "tpu.region"() ({
        %run_scoped3A_133 = tpu.sem_alloc : memref<!tpu.dma_semaphore, #tpu.memory_space<semaphore_mem>>
        %dma_start3A_134 = arith.constant 0 : i32
        %dma_start3A_135 = tpu.memref_slice %arg5[%arg0, %mul3A_132, %dma_start3A_134] : memref<2x10000x128xf32, #tpu.memory_space<hbm>> -> memref<1x632x128xf32, #tpu.memory_space<hbm>>
        %dma_start3A_136 = tpu.memref_squeeze %dma_start3A_135 : memref<1x632x128xf32, #tpu.memory_space<hbm>> -> memref<632x128xf32, #tpu.memory_space<hbm>>
        %dma_start3A_137 = arith.constant 0 : i32
        %dma_start3A_138 = tpu.memref_slice %arg13[%mul3A_130, %dma_start3A_137] : memref<10000x128xf32, #tpu.memory_space<vmem_shared>> -> memref<632x128xf32, #tpu.memory_space<vmem_shared>>
        tpu.enqueue_dma source(%dma_start3A_138 : memref<632x128xf32, #tpu.memory_space<vmem_shared>>) target(%dma_start3A_136 : memref<632x128xf32, #tpu.memory_space<hbm>>) target_semaphore(%run_scoped3A_133 : memref<!tpu.dma_semaphore, #tpu.memory_space<semaphore_mem>>)
        %dma_wait3A_139 = arith.constant 0 : i32
        %dma_wait3A_140 = tpu.memref_slice %arg5[%arg0, %mul3A_132, %dma_wait3A_139] : memref<2x10000x128xf32, #tpu.memory_space<hbm>> -> memref<1x632x128xf32, #tpu.memory_space<hbm>>
        %dma_wait3A_141 = tpu.memref_squeeze %dma_wait3A_140 : memref<1x632x128xf32, #tpu.memory_space<hbm>> -> memref<632x128xf32, #tpu.memory_space<hbm>>
        %dma_wait3A_142 = arith.constant 0 : i32
        %dma_wait3A_143 = tpu.memref_slice %arg13[%mul3A_130, %dma_wait3A_142] : memref<10000x128xf32, #tpu.memory_space<vmem_shared>> -> memref<632x128xf32, #tpu.memory_space<vmem_shared>>
        tpu.wait_dma2 semaphore(%run_scoped3A_133 : memref<!tpu.dma_semaphore, #tpu.memory_space<semaphore_mem>>) src(%dma_wait3A_143 : memref<632x128xf32, #tpu.memory_space<vmem_shared>>) dst(%dma_wait3A_141 : memref<632x128xf32, #tpu.memory_space<hbm>>)
        tpu.yield
      }) : () -> ()
    } else {
    }
    %eq3A_124 = arith.constant 15 : i32
    %eq3A_125 = arith.cmpi eq, %arg1, %eq3A_124 : i32
    %convert_element_type3A_126 = arith.extui %eq3A_125 : i1 to i32
    %cond3A_127 = arith.constant 0 : i32
    %cond3A_128 = arith.cmpi ne, %convert_element_type3A_126, %cond3A_127 : i32
    scf.if %cond3A_128 {
      "tpu.region"() ({
        %run_scoped3A_129 = tpu.sem_alloc : memref<!tpu.dma_semaphore, #tpu.memory_space<semaphore_mem>>
        %dma_start3A_130 = arith.constant 9480 : i32
        %dma_start3A_131 = arith.constant 0 : i32
        %dma_start3A_132 = tpu.memref_slice %arg5[%arg0, %dma_start3A_130, %dma_start3A_131] : memref<2x10000x128xf32, #tpu.memory_space<hbm>> -> memref<1x520x128xf32, #tpu.memory_space<hbm>>
        %dma_start3A_133 = tpu.memref_squeeze %dma_start3A_132 : memref<1x520x128xf32, #tpu.memory_space<hbm>> -> memref<520x128xf32, #tpu.memory_space<hbm>>
        %dma_start3A_134 = arith.constant 9480 : i32
        %dma_start3A_135 = arith.constant 0 : i32
        %dma_start3A_136 = tpu.memref_slice %arg13[%dma_start3A_134, %dma_start3A_135] : memref<10000x128xf32, #tpu.memory_space<vmem_shared>> -> memref<520x128xf32, #tpu.memory_space<vmem_shared>>
        tpu.enqueue_dma source(%dma_start3A_136 : memref<520x128xf32, #tpu.memory_space<vmem_shared>>) target(%dma_start3A_133 : memref<520x128xf32, #tpu.memory_space<hbm>>) target_semaphore(%run_scoped3A_129 : memref<!tpu.dma_semaphore, #tpu.memory_space<semaphore_mem>>)
        %dma_wait3A_137 = arith.constant 9480 : i32
        %dma_wait3A_138 = arith.constant 0 : i32
        %dma_wait3A_139 = tpu.memref_slice %arg5[%arg0, %dma_wait3A_137, %dma_wait3A_138] : memref<2x10000x128xf32, #tpu.memory_space<hbm>> -> memref<1x520x128xf32, #tpu.memory_space<hbm>>
        %dma_wait3A_140 = tpu.memref_squeeze %dma_wait3A_139 : memref<1x520x128xf32, #tpu.memory_space<hbm>> -> memref<520x128xf32, #tpu.memory_space<hbm>>
        %dma_wait3A_141 = arith.constant 9480 : i32
        %dma_wait3A_142 = arith.constant 0 : i32
        %dma_wait3A_143 = tpu.memref_slice %arg13[%dma_wait3A_141, %dma_wait3A_142] : memref<10000x128xf32, #tpu.memory_space<vmem_shared>> -> memref<520x128xf32, #tpu.memory_space<vmem_shared>>
        tpu.wait_dma2 semaphore(%run_scoped3A_129 : memref<!tpu.dma_semaphore, #tpu.memory_space<semaphore_mem>>) src(%dma_wait3A_143 : memref<520x128xf32, #tpu.memory_space<vmem_shared>>) dst(%dma_wait3A_140 : memref<520x128xf32, #tpu.memory_space<hbm>>)
        tpu.yield
      }) : () -> ()
    } else {
    }
    return
  }
}

module attributes {stable_mosaic.version = 14 : i64} {
  func.func @body(%arg0: i32, %arg1: memref<2x2000x128xf32, #tpu.memory_space<vmem>>, %arg2: memref<128x128xf32, #tpu.memory_space<vmem>>, %arg3: memref<2000x128xf32, #tpu.memory_space<vmem>>) attributes {dimension_semantics = [#tpu.dimension_semantics<arbitrary>], iteration_bounds = array<i64: 5>, scalar_prefetch = 0 : i64, scratch_operands = 0 : i64, tpu.core_type = #tpu.core_type<tc>, window_params = [{transform_indices = @transform_0, window_bounds = array<i64: 2, 2000, 128>}, {pipeline_mode = #tpu.pipeline_mode<synchronous>, transform_indices = @transform_1, window_bounds = array<i64: 128, 128>}, {transform_indices = @transform_2, window_bounds = array<i64: 2000, 128>}]} {
    %get3A = arith.constant 0 : index
    %get3A_0 = arith.constant 0 : index
    %get3A_1 = arith.constant 0 : index
    %get3A_2 = vector.load %arg1[%get3A, %get3A_0, %get3A_1] : memref<2x2000x128xf32, #tpu.memory_space<vmem>>, vector<1x2000x128xf32>
    %get3A_3 = vector.shape_cast %get3A_2 : vector<1x2000x128xf32> to vector<2000x128xf32>
    %get3A_4 = arith.constant 1 : index
    %get3A_5 = arith.constant 0 : index
    %get3A_6 = arith.constant 0 : index
    %get3A_7 = vector.load %arg1[%get3A_4, %get3A_5, %get3A_6] : memref<2x2000x128xf32, #tpu.memory_space<vmem>>, vector<1x2000x128xf32>
    %get3A_8 = vector.shape_cast %get3A_7 : vector<1x2000x128xf32> to vector<2000x128xf32>
    %add3A = arith.addf %get3A_3, %get3A_8 : vector<2000x128xf32>
    %get3A_9 = arith.constant 0 : index
    %get3A_10 = arith.constant 0 : index
    %get3A_11 = vector.load %arg2[%get3A_9, %get3A_10] : memref<128x128xf32, #tpu.memory_space<vmem>>, vector<128x128xf32>
    %dot_general3A = arith.constant dense<0.000000e+00> : vector<2000x128xf32>
    %dot_general3A_12 = tpu.matmul %add3A, %get3A_11, %dot_general3A {dimension_numbers = #tpu.dot_dimension_numbers<[1], [0], [0], [1], [0, 0, 1, 1], [], []>, transpose_lhs_hint = false} : vector<2000x128xf32>, vector<128x128xf32>, vector<2000x128xf32> -> vector<2000x128xf32>
    %swap3A = arith.constant 0 : index
    %swap3A_13 = arith.constant 0 : index
    %swap3A_14 = vector.load %arg3[%swap3A, %swap3A_13] : memref<2000x128xf32, #tpu.memory_space<vmem>>, vector<2000x128xf32>
    tpu.vector_store %arg3[%swap3A, %swap3A_13], %dot_general3A_12 {strides = array<i32>} : memref<2000x128xf32, #tpu.memory_space<vmem>>, vector<2000x128xf32>,
    return
  }
  func.func @transform_0(%arg0: i32) -> (i32, i32, i32) {
    %c0_i32 = arith.constant 0 : i32
    %c0_i32_0 = arith.constant 0 : i32
    %c0_i32_1 = arith.constant 0 : i32
    return %c0_i32, %arg0, %c0_i32_0 : i32, i32, i32
  }
  func.func @transform_1(%arg0: i32) -> (i32, i32) {
    %c0_i32 = arith.constant 0 : i32
    %c0_i32_0 = arith.constant 0 : i32
    %c0_i32_1 = arith.constant 0 : i32
    return %c0_i32, %c0_i32_0 : i32, i32
  }
  func.func @transform_2(%arg0: i32) -> (i32, i32) {
    %c0_i32 = arith.constant 0 : i32
    %c0_i32_0 = arith.constant 0 : i32
    return %arg0, %c0_i32 : i32, i32
  }
}

</mosaic_0001>

<sc_bundles>
// kernel: kernel.4.cloned.1.call-start
scs
__scs_entry_jumppad:
0x0: {  	(pc) =	sbr.rel $0x88, $3  }
0x1: {  	(tag) =	ssettag $0x0;
	lr =	simm.s32 $0x1  }
0x2: {  	[smem:$0x3F9D] =	sst lr;
	_ =	strace $0xD0000000  }
0x3: {  	_ = 	snop  }
0x4: {  	_ = 	snop  }
0x5: {  	_ = 	snop  }
0x6: {  	_ = 	snop  }
0x7: {  	_ = 	snop  }
__scs_overlays_trampoline_lowered:
0x8: {  	[smem:$0x3FAC] =	sst s0  }
0x9: {  	[smem:$0x3FAD] =	sst s1  }
0xa: {  	[smem:$0x3FAE] =	sst s2  }
0xb: {  	[smem:$0x3FAF] =	sst s3  }
0xc: {  	[smem:$0x3FB0] =	sst s4  }
0xd: {  	[smem:$0x3FB1] =	sst s5  }
0xe: {  	[smem:$0x3FB2] =	sst s6  }
0xf: {  	[smem:$0x3FB3] =	sst s7  }
0x10: {  	[smem:$0x3FB4] =	sst s8  }
0x11: {  	[smem:$0x3FB5] =	sst s9;
	s0 =	simm.s32 @!p0 $0x0  }
0x12: {  	s1 =	sld [smem:$0x3F9B];
	s0 =	simm.s32 @p0 $0x1  }
0x13: {  	[smem:$0x3FB6] =	sst s0;
	s0 =	simm.s32 @!p1 $0x0  }
0x14: {  	s2 =	sld [smem:$0x3F9A];
	s0 =	simm.s32 @p1 $0x1  }
0x15: {  	[smem:$0x3FB7] =	sst s0;
	s0 =	simm.s32 @!p2 $0x0  }
0x16: {  	s3 =	sld [smem:$0x3FDB];
	s0 =	simm.s32 @p2 $0x1  }
0x17: {  	s4 =	simm.s32 $0x1BF5;
	[smem:$0x3FB9] =	sst s0  }
0x18: {  	s0 =	sld [smem:$0x3F9C];
	_ =	swait.ge [sflag:s4], $0x0  }
0x19: {  	s7 =	sld [smem:$0x3F9D]  }
0x1a: {  	s8 =	sadd.s32 $0xFFFFE003, lr  }
0x1b: {  	s9 =	sadd.s32 $0xFFFFFEF7, lr;
	s5 =	simm.s32 $0xFFFFFFFF;
	p2 =	slt.u32 s8, $0xFFFFF086  }
0x1c: {  	p1 =	slt.u32 s9, $0xF7A;
	s5 =	simm.s32 @!p2 $0x0  }
0x1d: {  	s5 =	simm.s32 @p1 $0x1;
	p0 =	seq.s32 s7, s2  }
0x1e: {  	s7 =	smul.u32 @!p0 $0xF7A, s2;
	p2 =	seq.s32 @!p0 s5, $0x0  }
0x1f: {  	s9 =	smul.u32 $0xF7A, s1;
	s8 =	simm.s32 @!p0 $0x1BF5;
	p2 =	por !p2, p0  }
0x20: {  	[sflag:s8] =	ssyncset.s32 @!p0 $0xFFFFF086;
	s6 =	sadd.s32 @!p0 s3, s7;
	s7 =	simm.s32 @!p0 $0x108  }
0x21: {  	s3 =	sadd.s32 s3, s9;
	s6 =	sadd.s32 @!p0 $0x88, s6;
	s7 =	simm.s32 @p2 $0x1082  }
0x22: {  	[simem:s7], [sflag:s8] =	dma.local @!p0 [hbm:s6], $0xF7A  }
0x23: {  	s9 =	sor.u32 $0xD0000000, s2;
	s6 =	simm.s32 $0x108;
	_ =	swait.ge @!p0 [sflag:s8], $0x0  }
0x24: {  	s3 =	sadd.s32 $0x88, s3;
	s6 =	simm.s32 @!p1 $0x1082;
	[sflag:s4] =	ssyncset.s32 $0xFFFFF086  }
0x25: {  	[simem:s6], [sflag:s4] =	dma.local [hbm:s3], $0xF7A  }
0x26: {  	[smem:$0x3F9D] =	sst s1;
	(tag) =	ssettag s2;
	_ =	strace s9  }
0x27: {  	s1 =	sld [smem:$0x3FAD]  }
0x28: {  	s2 =	sld [smem:$0x3FAE]  }
0x29: {  	s4 =	sld [smem:$0x3FB0]  }
0x2a: {  	p0 =	seq.s32 s5, $0x0;
	s5 =	sld [smem:$0x3FB1]  }
0x2b: {  	s6 =	sld [smem:$0x3FB2]  }
0x2c: {  	s7 =	sld [smem:$0x3FB3]  }
0x2d: {  	s3 =	simm.s32 $0x108;
	s8 =	sld [smem:$0x3FB4]  }
0x2e: {  	s3 =	simm.s32 @!p0 $0x1082;
	s9 =	sld [smem:$0x3FB5]  }
0x2f: {  	lr =	sadd.s32 s0, s3;
	s0 =	sld [smem:$0x3FAC]  }
0x30: {  	s3 =	sld [smem:$0x3FAF]  }
0x31: {  	[smem:$0x3FB8] =	sst s10  }
0x32: {  	s10 =	sld [smem:$0x3FB6];
	_ =	sdelay $0x3  }
0x33: {  	p0 =	seq.s32 s10, $0x1;
	s10 =	sld [smem:$0x3FB8];
	_ =	sdelay $0x3  }
0x34: {  	[smem:$0x3FB8] =	sst s10  }
0x35: {  	s10 =	sld [smem:$0x3FB7];
	_ =	sdelay $0x3  }
0x36: {  	p1 =	seq.s32 s10, $0x1;
	s10 =	sld [smem:$0x3FB8];
	_ =	sdelay $0x3  }
0x37: {  	[smem:$0x3FB8] =	sst s10  }
0x38: {  	s10 =	sld [smem:$0x3FB9]  }
0x39: {  	_ = 	snop;
	(pc) =	sbr.ind lr, $3  }
0x3a: {  	_ = 	snop  }
0x3b: {  	_ = 	snop  }
0x3c: {  	p2 =	seq.s32 s10, $0x1;
	s10 =	sld [smem:$0x3FB8]  }
0x3d: {  	_ =	shalt  }
0x3e: {  	_ =	shalt  }
0x3f: {  	_ =	shalt  }
0x40: {  	_ =	shalt  }
0x41: {  	_ =	shalt  }
0x42: {  	_ =	shalt  }
0x43: {  	_ =	shalt  }
0x44: {  	_ =	shalt  }
0x45: {  	_ =	shalt  }
0x46: {  	_ =	shalt  }
0x47: {  	_ =	shalt  }
0x48: {  	_ =	shalt  }
0x49: {  	_ =	shalt  }
0x4a: {  	_ =	shalt  }
0x4b: {  	_ =	shalt  }
0x4c: {  	_ =	shalt  }
0x4d: {  	_ =	shalt  }
0x4e: {  	_ =	shalt  }
0x4f: {  	_ =	shalt  }
0x50: {  	_ =	shalt  }
0x51: {  	_ =	shalt  }
0x52: {  	_ =	shalt  }
0x53: {  	_ =	shalt  }
0x54: {  	_ =	shalt  }
0x55: {  	_ =	shalt  }
0x56: {  	_ =	shalt  }
0x57: {  	_ =	shalt  }
0x58: {  	_ =	shalt  }
0x59: {  	_ =	shalt  }
0x5a: {  	_ =	shalt  }
0x5b: {  	_ =	shalt  }
0x5c: {  	_ =	shalt  }
0x5d: {  	_ =	shalt  }
0x5e: {  	_ =	shalt  }
0x5f: {  	_ =	shalt  }
0x60: {  	_ =	shalt  }
0x61: {  	_ =	shalt  }
0x62: {  	_ =	shalt  }
0x63: {  	_ =	shalt  }
0x64: {  	_ =	shalt  }
0x65: {  	_ =	shalt  }
0x66: {  	_ =	shalt  }
0x67: {  	_ =	shalt  }
0x68: {  	_ =	shalt  }
0x69: {  	_ =	shalt  }
0x6a: {  	_ =	shalt  }
0x6b: {  	_ =	shalt  }
0x6c: {  	_ =	shalt  }
0x6d: {  	_ =	shalt  }
0x6e: {  	_ =	shalt  }
0x6f: {  	_ =	shalt  }
0x70: {  	_ =	shalt  }
0x71: {  	_ =	shalt  }
0x72: {  	_ =	shalt  }
0x73: {  	_ =	shalt  }
0x74: {  	_ =	shalt  }
0x75: {  	_ =	shalt  }
0x76: {  	_ =	shalt  }
0x77: {  	_ =	shalt  }
0x78: {  	_ =	shalt  }
0x79: {  	_ =	shalt  }
0x7a: {  	_ =	shalt  }
0x7b: {  	_ =	shalt  }
0x7c: {  	_ =	shalt  }
0x7d: {  	_ =	shalt  }
0x7e: {  	_ =	shalt  }
0x7f: {  	_ =	shalt  }
0x80: {  	_ =	shalt  }
0x81: {  	_ =	shalt  }
0x82: {  	_ =	shalt  }
0x83: {  	_ =	shalt  }
0x84: {  	_ =	shalt  }
0x85: {  	_ =	shalt  }
0x86: {  	_ =	shalt  }
0x87: {  	_ =	shalt  }
.Lfunc_end0:
.L_simem_size_0:
called_computation_lowered:
.L_overlay_start_0:
0x88: {  	s2 =	sld [smem:$0x3FD9]  }
0x89: {  	s3 =	sld [smem:$0x3FFE];
	_ =	sdelay $0x1  }
0x8a: {  	s1 =	srdreg.scid  }
0x8b: {  	s0 =	sand.u32 $0x1, s1  }
0x8c: {  	s17 =	sshll.u32 s0, $0xA;
	s2 =	sadd.s32 s3, s2  }
0x8d: {  	s2 =	sadd.s32 s2, s17  }
0x8e: {  	[smem:$0x3FC4] =	sst s2  }
0x8f: {  	_ = 	snop  }
0x90: {  	s2 =	sld [smem:$0x3FC9]  }
0x91: {  	s18 =	sld [smem:$0x3FC8]  }
0x92: {  	s4 =	sld [smem:$0x3FC7];
	(tm) =	ssettm $0x1  }
0x93: {  	s5 =	sld [smem:$0x3FFB];
	_ =	sdelay $0x3  }
0x94: {  	_ =	strace s5  }
0x95: {  	s5 =	sld [smem:$0x3FFC];
	_ =	sdelay $0x3  }
0x96: {  	_ =	strace s5  }
0x97: {  	s5 =	sld [smem:$0x3FFD];
	_ =	sdelay $0x3  }
0x98: {  	_ =	strace s5  }
0x99: {  	_ =	strace $0x8FFFFFFF  }
0x9a: {  	s19 =	sld [smem:$0x3FDB];
	_ =	sdelay $0x1  }
0x9b: {  	s6 =	simm.s32 $_scs_section_size  }
0x9c: {  	s7 =	simm.s32 $_size__tile_overlayer_lowered;
	s8 =	simm.s32 $_tile_overlayer_lowered  }
0x9d: {  	s22 =	simm.s32 $0x1BFF;
	s21 =	sshll.u32 s8, $0x1;
	s5 =	sadd.s32 s6, s19  }
0x9e: {  	s9 =	simm.s32 $0x0;
	s20 =	sshll.u32 s7, $0x1;
	s7 =	sadd.s32 s21, s5  }
0x9f: {  	[timem:s9], [sflag:s22] =	dma.local [hbm:s7], s20  }
0xa0: {  	_ =	swait.ge [sflag:s22], s20  }
0xa1: {  	s6 =	ssub.s32 $0x0, s20;
	[sflag:s22] =	ssyncset.done $0x0  }
0xa2: {  	[sflag:s22] =	ssyncadd.s32 s6;
	_ =	sdelay $0x1  }
0xa3: {  	s23 =	simm.s32 $0x1B8B  }
0xa4: {  	_ =	swait.ge [sflag:s23], $0x1  }
0xa5: {  	[sflag:s23] =	ssyncset.done $0x0  }
0xa6: {  	s25 =	simm.s32 $0x1B8E;
	s24 =	sld [smem:$0x3FFE];
	[sflag:s23] =	ssyncadd.s32 $0xFFFFFFFF  }
0xa7: {  	s26 =	simm.s32 $execute0_lowered;
	[smem:$0x3FD2] =	sst s25  }
0xa8: {  	s7 =	sshll.u32 s26, $0x1;
	_ =	strace $0x80000046;
	[dreg:$0x1] =	wrdreg $0xFFFFFFFF  }
0xa9: {  	s28 =	simm.s32 $_size_execute0_lowered;
	s5 =	sadd.s32 s5, s7;
	[dreg:$0x0] =	wrdreg $0x0  }
0xaa: {  	s7 =	sshll.u32 s28, $0x1;
	[dreg:$0x2] =	wrdreg s5  }
0xab: {  	[dreg:$0x3] =	wrdreg s7  }
0xac: {  	[dreg:$0x4] =	wrdreg $0xC0  }
0xad: {  	_ =	task [dreg:s9], $0x5FFFF  }
0xae: {  	[dreg:$0x1] =	wrdreg $0xFFFFFFFF  }
0xaf: {  	[dreg:$0x0] =	wrdreg $0x60  }
0xb0: {  	[dreg:$0x2] =	wrdreg s2  }
0xb1: {  	[dreg:$0x3] =	wrdreg s18  }
0xb2: {  	[dreg:$0x4] =	wrdreg s4  }
0xb3: {  	[dreg:$0x5] =	wrdreg s24  }
0xb4: {  	[dreg:$0x6] =	wrdreg $0xB2800  }
0xb5: {  	[dreg:$0x7] =	wrdreg $0x9  }
0xb6: {  	_ =	task.clear_ibuf [dreg:s9], $0x8FFFF;
	_ =	strace $0x90000046  }
0xb7: {  	s29 =	simm.s32 $0x9;
	_ =	strace $0x80000048  }
0xb8: {  	_ =	swait.ge [sflag:s29], $0x1  }
0xb9: {  	[sflag:s29] =	ssyncadd.s32 $0xFFFFFFFF  }
0xba: {  	_ =	strace $0x90000048  }
0xbb: {  	_ =	sfence  }
0xbc: {  	s30 =	sld [smem:$0x0];
	_ =	sdelay $0x2  }
0xbd: {  	s31 =	sshll.u32 s1, $0xD;
	s1 =	sshrl.u32 s1, $0x2  }
0xbe: {  	s3 =	sand.u32 $0x4000, s31;
	s1 =	sadd.s32 s1, s30  }
0xbf: {  	s0 =	sor.u32 s3, s0;
	s1 =	sshll.u32 s1, $0x11  }
0xc0: {  	s0 =	sor.u32 s1, s0  }
0xc1: {  	s0 =	sadd.s32 $0x8F2B, s0  }
0xc2: {  	[sflag:s0] =	ssyncadd.remote.s32 $0x1  }
0xc3: {  	_ =	sfence.sel $0xFFFF  }
0xc4: {  	[dreg:$0x0] =	wrdreg $0xFFFFFFFF;
	(pc) =	sbr.abs _section_cstart, $3  }
0xc5: {  	[dreg:$0x1] =	wrdreg $0xFFFFFFFF  }
0xc6: {  	_ =	task.clear_ibuf [dreg:s9], $0x2FFFF;
	_ =	strace $0x9FFFFFFF  }
0xc7: {  	(tm) =	ssettm $0x7FFFFFFF  }
tec
execute0_lowered:
.L_overlay_start_1:
0x0: {  	(tag) =	ssettag $0x1  }
0x1: {  	s1 =	rddreg [dreg:$0x0]  }
0x2: {  	s3 =	rddreg [dreg:$0x2]  }
0x3: {  	s0 =	rddreg [dreg:$0x3]  }
0x4: {  	s5 =	rddreg [dreg:$0x4]  }
0x5: {  	s6 =	simm.s32 $0x0;
	s14 =	stileid.u32;
	s2 =	srdreg.scid  }
0x6: {  	s28 =	simm.s32 $0x8;
	s29 =	simm.s32 $0x2780;
	s30 =	simm.s32 $0x2800  }
0x7: {  	s31 =	simm.s32 $0x0;
	[smem:$0x7FF] =	sst s6;
	s4 =	smul.u32 $0x4F000, s14  }
0x8: {  	s2 =	sand.u32 $0x1, s2;
	s13 =	sadd.s32 $0x12C400, s5;
	s18 =	sadd.s32 $0x130400, s5  }
0x9: {  	s0 =	sadd.s32 $0x800, s0;
	s19 =	smul.u32 $0x13C00, s14;
	s20 =	sadd.s32 $0x138400, s5  }
0xa: {  	p0 =	seq.s32 s14, $0xF;
	_ =	strace $0x80000047;
	[dreg:$0x9] =	wrdreg s13  }
0xb: {  	s7 =	sshll.u32 s2, $0x4;
	s15 =	smul.u32 $0x138800, s2;
	[dreg:$0xb] =	wrdreg s18  }
0xc: {  	s8 =	ssub.s32 $0x2, s2;
	[dreg:$0xd] =	wrdreg s20;
	s2 =	smul.u32 $0x27100, s2  }
0xd: {  	s13 =	smul.u32 $0x2710, s14;
	s4 =	sshrl.u32 s4, $0x2;
	s9 =	sor.u32 s14, s7  }
0xe: {  	s26 =	sshrl.u32 s8, $0x1;
	s14 =	simm.s32 $0x5;
	s7 =	sadd.s32 s4, s5  }
0xf: {  	s9 =	smul.u32 $0x2710, s9;
	s4 =	ssub.s32 s8, s26;
	s8 =	sshrl.u32 s15, $0x3  }
0x10: {  	s2 =	sadd.s32 s13, s2;
	s13 =	simm.s32 $0x6980;
	s10 =	sadd.s32 $0x4000, s7  }
0x11: {  	s11 =	sadd.s32 $0x8000, s7;
	s12 =	sadd.s32 $0xC000, s7;
	[dreg:$0x11] =	wrdreg s2  }
0x12: {  	s17 =	sadd.s32 $0x10000, s7;
	s24 =	smax.u32 s4, $0x1;
	[dreg:$0x6] =	wrdreg s10  }
0x13: {  	s26 =	sadd.s32 $0x80, s2;
	s2 =	simm.s32 $0x80;
	[dreg:$0x7] =	wrdreg s11  }
0x14: {  	s4 =	simm.s32 $0x2980;
	[dreg:$0x8] =	wrdreg s12;
	s11 =	sadd.s32 $0x128400, s5  }
0x15: {  	[dreg:$0xa] =	wrdreg s17;
	s12 =	sadd.s32 $0x134400, s5;
	s21 =	sshrl.u32 s9, $0x3  }
0x16: {  	s16 =	sadd.s32 $0x2700, s9;
	s10 =	sadd.s32 s19, s15;
	[dreg:$0x13] =	wrdreg s24  }
0x17: {  	[dreg:$0x15] =	wrdreg s26;
	s15 =	simm.s32 $0x2900;
	s17 =	simm.s32 $0x1  }
0x18: {  	[dreg:$0xc] =	wrdreg s12;
	s10 =	sshrl.u32 s10, $0x3;
	s22 =	sshrl.u32 s16, $0x3  }
0x19: {  	v0 =	vlaneseq.u32;
	s23 =	sadd.s32 s3, s21;
	s21 =	sadd.s32 $0x100, s9;
	s12 =	simm.s32 $0x3  }
0x1a: {  	v1 =	vor.u32 s16, v0;
	s16 =	simm.s32 $0x6;
	s10 =	sadd.s32 s0, s10;
	s0 =	sadd.s32 s0, s8  }
.Ltmp0:
0x1b: {  	v3 =	vimm.s32 $0x1388;
	s8 =	sadd.s32 s3, s22;
	[dreg:$0xf] =	wrdreg s23;
	(pc) =	sbr.rel .LBB2_1-.Ltmp0, $4  }
0x1c: {  	s22 =	sadd.s32 $0x180, s9;
	s25 =	sadd.s32 $0x10, s23;
	[dreg:$0xe] =	wrdreg s10  }
0x1d: {  	s23 =	simm.s32 $0xA980;
	s9 =	simm.s32 $0x2880;
	[dreg:$0x10] =	wrdreg s8  }
0x1e: {  	s0 =	sadd.s32 $0x25080, s0;
	[dreg:$0x14] =	wrdreg s25;
	s8 =	simm.s32 $0x4  }
0x1f: {  	v2 =	vimm.f32 $0.0e+00;
	v4 =	vimm.s32 $0x2711;
	v5 =	vimm.s32 $0x1D4C;
	s10 =	simm.s32 $0x7;
	[dreg:$0x12] =	wrdreg s0;
	s0 =	simm.s32 $0x2  }
.LBB2_14:
0x20: {  	[spmem:s5] =	stream.indirect.scatter.add.f32 [tilespmem:s13], [sflag:$0x7], $0x80, s15, s2, $0xb8;
	[tilespmem:$0x1EB00] =	vst v63  }
0x21: {  	_ =	swait.ge [sflag:s16], $0x4000  }
0x22: {  	[sflag:s16] =	ssyncset.done $0x0  }
0x23: {  	[sflag:s16] =	ssyncadd.s32 $0xFFFFC000  }
0x24: {  	_ =	swait.ge [sflag:s10], $0x4000  }
0x25: {  	[sflag:s10] =	ssyncset.done $0x0  }
0x26: {  	[sflag:s10] =	ssyncadd.s32 $0xFFFFC000  }
0x27: {  	_ =	swait.ge [sflag:s17], $0x10  }
0x28: {  	s23 =	simm.s32 $0xA980;
	[sflag:s17] =	ssyncset.done $0x0  }
0x29: {  	s18 =	simm.s32 $0x10;
	s19 =	simm.s32 $0xAA80;
	[sflag:s17] =	ssyncadd.s32 $0xFFFFFFF0  }
0x2a: {  	[tilespmem:s19], [sflag:$0x1] =	stream.indirect.gather [hbm4b:s1+s18], $0x80, s23, s18, $0xb8;
	[tilespmem:$0x1EB00] =	vst v63  }
0x2b: {  	v6 =	vld.idx.msk [tilespmem:v3+s6+$0x0], $0xffff;
	_ =	sdelay $0x4  }
0x2c: {  	vm0 =	vgt.s32 v6, v1  }
0x2d: {  	v6 =	vsel vm0, $0x9C4, v5;
	_ =	sdelay $0x4  }
0x2e: {  	v7 =	vld.idx.msk [tilespmem:v6+s6+$0x0], $0xffff;
	_ =	sdelay $0x4  }
0x2f: {  	v8 =	vsel vm0, $0x1388, v4;
	vm1 =	vgt.s32 v7, v1  }
0x30: {  	v7 =	vsel vm0, $0x0, v3;
	v8 =	vsel vm1, v6, v8  }
0x31: {  	v6 =	vsel vm1, v7, v6;
	v7 =	vadd.s32 $0xFFFFFFFF, v8  }
0x32: {  	v7 =	vadd.s32 v7, v6  }
0x33: {  	v7 =	vadd.s32 $0x1, v7  }
0x34: {  	v7 =	vshrl.u32 v7, $0x1;
	_ =	sdelay $0x4  }
0x35: {  	v9 =	vld.idx.msk [tilespmem:v7+s6+$0x0], $0xffff;
	_ =	sdelay $0x4  }
0x36: {  	vm4 =	vgt.s32 v9, v1  }
0x37: {  	v6 =	vsel vm4, v6, v7;
	v7 =	vsel vm4, v7, v8  }
0x38: {  	v8 =	vadd.s32 v6, v7  }
0x39: {  	v8 =	vshrl.u32 v8, $0x1;
	_ =	sdelay $0x4  }
0x3a: {  	v53 =	vld.idx.msk [tilespmem:v8+s6+$0x0], $0xffff;
	_ =	sdelay $0x4  }
0x3b: {  	vm5 =	vgt.s32 v53, v1  }
0x3c: {  	v6 =	vsel vm5, v6, v8;
	v7 =	vsel vm5, v8, v7  }
0x3d: {  	v8 =	vadd.s32 v6, v7  }
0x3e: {  	v8 =	vshrl.u32 v8, $0x1;
	_ =	sdelay $0x4  }
0x3f: {  	v54 =	vld.idx.msk [tilespmem:v8+s6+$0x0], $0xffff;
	_ =	sdelay $0x4  }
0x40: {  	vm6 =	vgt.s32 v54, v1  }
0x41: {  	v6 =	vsel vm6, v6, v8;
	v7 =	vsel vm6, v8, v7  }
0x42: {  	v8 =	vadd.s32 v6, v7  }
0x43: {  	v8 =	vshrl.u32 v8, $0x1;
	_ =	sdelay $0x4  }
0x44: {  	v55 =	vld.idx.msk [tilespmem:v8+s6+$0x0], $0xffff;
	_ =	sdelay $0x4  }
0x45: {  	vm7 =	vgt.s32 v55, v1  }
0x46: {  	v6 =	vsel vm7, v6, v8;
	v7 =	vsel vm7, v8, v7  }
0x47: {  	v8 =	vadd.s32 v6, v7  }
0x48: {  	v8 =	vshrl.u32 v8, $0x1;
	_ =	sdelay $0x4  }
0x49: {  	v56 =	vld.idx.msk [tilespmem:v8+s6+$0x0], $0xffff;
	_ =	sdelay $0x4  }
0x4a: {  	vm8 =	vgt.s32 v56, v1  }
0x4b: {  	v6 =	vsel vm8, v6, v8;
	v7 =	vsel vm8, v8, v7  }
0x4c: {  	v8 =	vadd.s32 v6, v7  }
0x4d: {  	v8 =	vshrl.u32 v8, $0x1;
	_ =	sdelay $0x4  }
0x4e: {  	v57 =	vld.idx.msk [tilespmem:v8+s6+$0x0], $0xffff;
	_ =	sdelay $0x4  }
0x4f: {  	vm9 =	vgt.s32 v57, v1  }
0x50: {  	v6 =	vsel vm9, v6, v8;
	v7 =	vsel vm9, v8, v7  }
0x51: {  	v8 =	vadd.s32 v6, v7  }
0x52: {  	v8 =	vshrl.u32 v8, $0x1;
	_ =	sdelay $0x4  }
0x53: {  	v58 =	vld.idx.msk [tilespmem:v8+s6+$0x0], $0xffff;
	_ =	sdelay $0x4  }
0x54: {  	vm10 =	vgt.s32 v58, v1  }
0x55: {  	v6 =	vsel vm10, v6, v8;
	v7 =	vsel vm10, v8, v7  }
0x56: {  	v8 =	vadd.s32 v6, v7  }
0x57: {  	v8 =	vshrl.u32 v8, $0x1;
	_ =	sdelay $0x4  }
0x58: {  	v59 =	vld.idx.msk [tilespmem:v8+s6+$0x0], $0xffff;
	_ =	sdelay $0x4  }
0x59: {  	vm11 =	vgt.s32 v59, v1  }
0x5a: {  	v6 =	vsel vm11, v6, v8;
	v7 =	vsel vm11, v8, v7  }
0x5b: {  	v8 =	vadd.s32 v6, v7  }
0x5c: {  	v8 =	vshrl.u32 v8, $0x1;
	_ =	sdelay $0x4  }
0x5d: {  	v60 =	vld.idx.msk [tilespmem:v8+s6+$0x0], $0xffff;
	_ =	sdelay $0x4  }
0x5e: {  	vm12 =	vgt.s32 v60, v1  }
0x5f: {  	v6 =	vsel vm12, v6, v8;
	v7 =	vsel vm12, v8, v7  }
0x60: {  	v8 =	vadd.s32 v6, v7  }
0x61: {  	v8 =	vshrl.u32 v8, $0x1;
	_ =	sdelay $0x4  }
0x62: {  	v61 =	vld.idx.msk [tilespmem:v8+s6+$0x0], $0xffff;
	_ =	sdelay $0x4  }
0x63: {  	vm13 =	vgt.s32 v61, v1  }
0x64: {  	v6 =	vsel vm13, v6, v8;
	v7 =	vsel vm13, v8, v7  }
0x65: {  	v8 =	vadd.s32 v6, v7  }
0x66: {  	v8 =	vshrl.u32 v8, $0x1;
	_ =	sdelay $0x4  }
0x67: {  	v62 =	vld.idx.msk [tilespmem:v8+s6+$0x0], $0xffff;
	_ =	sdelay $0x4  }
0x68: {  	vm14 =	vgt.s32 v62, v1  }
0x69: {  	v6 =	vsel vm14, v6, v8;
	v7 =	vsel vm14, v8, v7  }
0x6a: {  	v7 =	vadd.s32 v6, v7  }
0x6b: {  	v7 =	vshrl.u32 v7, $0x1;
	_ =	sdelay $0x4  }
0x6c: {  	v63 =	vld.idx.msk [tilespmem:v7+s6+$0x0], $0xffff;
	_ =	sdelay $0x4  }
0x6d: {  	vm15 =	vgt.s32 v63, v1  }
0x6e: {  	v6 =	vsel vm15, v6, v7  }
0x6f: {  	[tilespmem:$0xAA00] =	vst v6  }
0x70: {  	_ =	swait.ge [sflag:s17], $0x800  }
0x71: {  	[sflag:s17] =	ssyncset.done $0x0  }
0x72: {  	s20 =	simm.s32 $0xAA00;
	[sflag:s17] =	ssyncadd.s32 $0xFFFFF800  }
0x73: {  	[spmem:s5] =	stream.indirect.scatter.add.f32 [tilespmem:s19], [sflag:$0x8], $0x80, s20, s18, $0xb8;
	[tilespmem:$0x1EB00] =	vst v63  }
0x74: {  	_ =	swait.ge [sflag:s28], $0x800  }
0x75: {  	[sflag:s28] =	ssyncset.done $0x0  }
0x76: {  	[sflag:s28] =	ssyncadd.s32 $0xFFFFF800  }
0x77: {  	[bflag:$0x0] =	sbarrier.arrive $0xFFFF  }
0x78: {  	s18 =	sshrl.u32 @p0 s11, $0x3;
	s19 =	simm.s32 @p0 $0x1FC8;
	s20 =	rddreg [dreg:$0x12]  }
0x79: {  	[hbm:s20], [sflag:s19] =	dma.local @p0 [spmem:s18], $0x2080  }
0x7a: {  	s18 =	simm.s32 @p0 $0x8  }
0x7b: {  	s19 =	stileid.u32;
	_ =	swait.ge @p0 [sflag:s18], $0x2080  }
0x7c: {  	s19 =	sshll.u32 @!p0 s19, $0x6;
	[sflag:s18] =	ssyncset.done @p0 $0x0;
	s20 =	rddreg [dreg:$0xe]  }
0x7d: {  	[sflag:s18] =	ssyncadd.s32 @p0 $0xFFFFDF80;
	s18 =	sor.u32 @!p0 $0x1C08, s19;
	s19 =	sshrl.u32 @!p0 s7, $0x3  }
0x7e: {  	[hbm:s20], [sflag:s18] =	dma.local @!p0 [spmem:s19], $0x2780  }
0x7f: {  	s18 =	simm.s32 @!p0 $0x8  }
0x80: {  	_ =	swait.ge @!p0 [sflag:s18], $0x2780  }
0x81: {  	s31 =	sadd.s32 $0x1, s31;
	s26 =	rddreg [dreg:$0x13]  }
0x82: {  	p1 =	sne.s32 s31, s26  }
.Ltmp1:
0x83: {  	_ = 	snop;
	(pc) =	sbr.rel @!p1 .LBB2_15-.Ltmp1, $3  }
0x84: {  	_ =	sdelay $0x1  }
0x85: {  	[sflag:s18] =	ssyncset.done @!p0 $0x0  }
0x86: {  	[sflag:s18] =	ssyncadd.s32 @!p0 $0xFFFFD880  }
.LBB2_1:
0x87: {  	s18 =	simm.s32 $0x0;
	s19 =	simm.s32 $0x200  }
.LBB2_2:
0x88: {  	p1 =	sne.s32 s19, $0xFE00;
	[tilespmem:s18+$0x29F0] =	vst v2  }
0x89: {  	[tilespmem:s18+$0x2980] =	vst v2  }
0x8a: {  	[tilespmem:s18+$0x2990] =	vst v2  }
.Ltmp2:
0x8b: {  	[tilespmem:s18+$0x29A0] =	vst v2;
	(pc) =	sbr.rel @p1 .LBB2_2-.Ltmp2, $4  }
0x8c: {  	[tilespmem:s18+$0x29B0] =	vst v2  }
0x8d: {  	[tilespmem:s18+$0x29C0] =	vst v2  }
0x8e: {  	[tilespmem:s18+$0x29D0] =	vst v2  }
0x8f: {  	[tilespmem:s18+$0x29E0] =	vst v2;
	s18 =	sshra.s32 s19, $0x2;
	s19 =	sadd.s32 $0x200, s19  }
0x90: {  	[tilespmem:s18+$0x29F0] =	vst v2  }
0x91: {  	[tilespmem:s18+$0x2980] =	vst v2  }
0x92: {  	[tilespmem:s18+$0x2990] =	vst v2  }
0x93: {  	[tilespmem:s18+$0x29A0] =	vst v2  }
0x94: {  	[tilespmem:s18+$0x29B0] =	vst v2  }
0x95: {  	[tilespmem:s18+$0x29C0] =	vst v2  }
0x96: {  	[tilespmem:s18+$0x29D0] =	vst v2  }
0x97: {  	[tilespmem:s18+$0x29E0] =	vst v2;
	s18 =	simm.s32 @p0 $0x2980;
	s19 =	simm.s32 @p0 $0x8  }
0x98: {  	[spmem:s11] =	stream.linear.scatter @p0 [tilespmem:s18], [sflag:$0x8], $0x4000, $0x38;
	[tilespmem:$0x1EB00] =	vst v63  }
0x99: {  	_ =	swait.ge @p0 [sflag:s19], $0x4000  }
0x9a: {  	[sflag:s19] =	ssyncset.done @p0 $0x0  }
0x9b: {  	s20 =	rddreg [dreg:$0x9];
	[sflag:s19] =	ssyncadd.s32 @p0 $0xFFFFC000  }
0x9c: {  	[spmem:s20] =	stream.linear.scatter @p0 [tilespmem:s18], [sflag:$0x8], $0x4000, $0x38;
	[tilespmem:$0x1EB00] =	vst v63  }
0x9d: {  	_ =	swait.ge @p0 [sflag:s19], $0x4000  }
0x9e: {  	[sflag:s19] =	ssyncset.done @p0 $0x0  }
0x9f: {  	s20 =	rddreg [dreg:$0xb];
	[sflag:s19] =	ssyncadd.s32 @p0 $0xFFFFC000  }
0xa0: {  	[spmem:s20] =	stream.linear.scatter @p0 [tilespmem:s18], [sflag:$0x8], $0x4000, $0x38;
	[tilespmem:$0x1EB00] =	vst v63  }
0xa1: {  	_ =	swait.ge @p0 [sflag:s19], $0x4000  }
0xa2: {  	[sflag:s19] =	ssyncset.done @p0 $0x0  }
0xa3: {  	s20 =	rddreg [dreg:$0xc];
	[sflag:s19] =	ssyncadd.s32 @p0 $0xFFFFC000  }
0xa4: {  	[spmem:s20] =	stream.linear.scatter @p0 [tilespmem:s18], [sflag:$0x8], $0x4000, $0x38;
	[tilespmem:$0x1EB00] =	vst v63  }
0xa5: {  	_ =	swait.ge @p0 [sflag:s19], $0x4000  }
0xa6: {  	[sflag:s19] =	ssyncset.done @p0 $0x0  }
0xa7: {  	s20 =	rddreg [dreg:$0xd];
	[sflag:s19] =	ssyncadd.s32 @p0 $0xFFFFC000  }
0xa8: {  	[spmem:s20] =	stream.linear.scatter @p0 [tilespmem:s18], [sflag:$0x8], $0x400, $0x38;
	[tilespmem:$0x1EB00] =	vst v63  }
0xa9: {  	_ =	swait.ge @p0 [sflag:s19], $0x400  }
0xaa: {  	[sflag:s19] =	ssyncset.done @p0 $0x0  }
0xab: {  	s18 =	simm.s32 @!p0 $0x2980;
	[sflag:s19] =	ssyncadd.s32 @p0 $0xFFFFFC00;
	s19 =	simm.s32 @!p0 $0x8  }
0xac: {  	[spmem:s7] =	stream.linear.scatter @!p0 [tilespmem:s18], [sflag:$0x8], $0x4000, $0x38;
	[tilespmem:$0x1EB00] =	vst v63  }
0xad: {  	_ =	swait.ge @!p0 [sflag:s19], $0x4000  }
0xae: {  	[sflag:s19] =	ssyncset.done @!p0 $0x0  }
0xaf: {  	s20 =	rddreg [dreg:$0x6];
	[sflag:s19] =	ssyncadd.s32 @!p0 $0xFFFFC000  }
0xb0: {  	[spmem:s20] =	stream.linear.scatter @!p0 [tilespmem:s18], [sflag:$0x8], $0x4000, $0x38;
	[tilespmem:$0x1EB00] =	vst v63  }
0xb1: {  	_ =	swait.ge @!p0 [sflag:s19], $0x4000  }
0xb2: {  	[sflag:s19] =	ssyncset.done @!p0 $0x0  }
0xb3: {  	s20 =	rddreg [dreg:$0x7];
	[sflag:s19] =	ssyncadd.s32 @!p0 $0xFFFFC000  }
0xb4: {  	[spmem:s20] =	stream.linear.scatter @!p0 [tilespmem:s18], [sflag:$0x8], $0x4000, $0x38;
	[tilespmem:$0x1EB00] =	vst v63  }
0xb5: {  	_ =	swait.ge @!p0 [sflag:s19], $0x4000  }
0xb6: {  	[sflag:s19] =	ssyncset.done @!p0 $0x0  }
0xb7: {  	s20 =	rddreg [dreg:$0x8];
	[sflag:s19] =	ssyncadd.s32 @!p0 $0xFFFFC000  }
0xb8: {  	[spmem:s20] =	stream.linear.scatter @!p0 [tilespmem:s18], [sflag:$0x8], $0x4000, $0x38;
	[tilespmem:$0x1EB00] =	vst v63  }
0xb9: {  	_ =	swait.ge @!p0 [sflag:s19], $0x4000  }
0xba: {  	[sflag:s19] =	ssyncset.done @!p0 $0x0  }
0xbb: {  	s20 =	rddreg [dreg:$0xa];
	[sflag:s19] =	ssyncadd.s32 @!p0 $0xFFFFC000  }
0xbc: {  	[spmem:s20] =	stream.linear.scatter @!p0 [tilespmem:s18], [sflag:$0x8], $0x3C00, $0x38;
	[tilespmem:$0x1EB00] =	vst v63  }
0xbd: {  	_ =	swait.ge @!p0 [sflag:s19], $0x3C00  }
0xbe: {  	[sflag:s19] =	ssyncset.done @!p0 $0x0  }
0xbf: {  	[sflag:s19] =	ssyncadd.s32 @!p0 $0xFFFFC400  }
0xc0: {  	s24 =	simm.s32 $0x0;
	s19 =	rddreg [dreg:$0x1]  }
0xc1: {  	[tilespmem:s24], [sflag:$0x8] =	stream.linear.gather [hbm4b:s19+s24], $0x2711, $0x38;
	[tilespmem:$0x1EB00] =	vst v63  }
0xc2: {  	_ =	swait.ge [sflag:s28], $0x2711  }
0xc3: {  	[sflag:s28] =	ssyncset.done $0x0  }
0xc4: {  	[sflag:s28] =	ssyncadd.s32 $0xFFFFD8EF  }
0xc5: {  	[bflag:$0x0] =	sbarrier.arrive $0xFFFF  }
0xc6: {  	s20 =	rddreg [dreg:$0xf]  }
0xc7: {  	s25 =	rddreg [dreg:$0x14]  }
0xc8: {  	[tilespmem:s29], [sflag:$0x2] =	stream.linear.gather [hbm4b:s20+s24], $0x80, $0x38;
	[tilespmem:$0x1EB00] =	vst v63  }
0xc9: {  	s26 =	rddreg [dreg:$0x10]  }
0xca: {  	[tilespmem:s30], [sflag:$0x3] =	stream.linear.gather [hbm4b:s25+s24], $0x80, $0x38;
	[tilespmem:$0x1EB00] =	vst v63  }
0xcb: {  	s25 =	rddreg [dreg:$0x11]  }
0xcc: {  	[tilespmem:s23], [sflag:$0x1] =	stream.linear.gather [hbm4b:s26+s24], $0x10, $0x38;
	[tilespmem:$0x1EB00] =	vst v63  }
0xcd: {  	s26 =	rddreg [dreg:$0x15]  }
.LBB2_4:
0xce: {  	p1 =	seq.s32 s24, $0x0  }
0xcf: {  	s18 =	simm.s32 @!p1 $0x6  }
0xd0: {  	_ =	swait.ge @!p1 [sflag:s18], $0x4000  }
0xd1: {  	[sflag:s18] =	ssyncset.done @!p1 $0x0  }
0xd2: {  	[sflag:s18] =	ssyncadd.s32 @!p1 $0xFFFFC000  }
0xd3: {  	_ =	swait.ge [sflag:s0], $0x80  }
0xd4: {  	s20 =	smov.u32 s25;
	[sflag:s0] =	ssyncset.done $0x0  }
0xd5: {  	s19 =	simm.s32 $0x0;
	s18 =	sshll.u32 s24, $0x8;
	[sflag:s0] =	ssyncadd.s32 $0xFFFFFF80  }
0xd6: {  	[tilespmem:s4], [sflag:$0x4] =	stream.indirect.gather [hbm4b:s1+s2], $0x80, s29, s2, $0xb8;
	[tilespmem:$0x1EB00] =	vst v63  }
.LBB2_5:
0xd7: {  	v6 =	vld.idx.msk [tilespmem:v3+s6+$0x0], $0xffff;
	_ =	sdelay $0x3  }
0xd8: {  	v7 =	vor.u32 s20, v0  }
0xd9: {  	vm0 =	vgt.s32 v6, v7  }
0xda: {  	v6 =	vsel vm0, $0x9C4, v5;
	_ =	sdelay $0x4  }
0xdb: {  	v8 =	vld.idx.msk [tilespmem:v6+s6+$0x0], $0xffff;
	_ =	sdelay $0x4  }
0xdc: {  	v9 =	vsel vm0, $0x1388, v4;
	vm1 =	vgt.s32 v8, v7  }
0xdd: {  	v51 =	vsel vm0, $0x0, v3;
	v9 =	vsel vm1, v6, v9  }
0xde: {  	v6 =	vsel vm1, v51, v6;
	v52 =	vadd.s32 $0xFFFFFFFF, v9  }
0xdf: {  	v8 =	vadd.s32 v52, v6  }
0xe0: {  	v8 =	vadd.s32 $0x1, v8  }
0xe1: {  	v8 =	vshrl.u32 v8, $0x1;
	_ =	sdelay $0x4  }
0xe2: {  	v10 =	vld.idx.msk [tilespmem:v8+s6+$0x0], $0xffff;
	_ =	sdelay $0x4  }
0xe3: {  	vm4 =	vgt.s32 v10, v7  }
0xe4: {  	v6 =	vsel vm4, v6, v8;
	v8 =	vsel vm4, v8, v9  }
0xe5: {  	v9 =	vadd.s32 v6, v8  }
0xe6: {  	v9 =	vshrl.u32 v9, $0x1;
	_ =	sdelay $0x4  }
0xe7: {  	v53 =	vld.idx.msk [tilespmem:v9+s6+$0x0], $0xffff;
	_ =	sdelay $0x4  }
0xe8: {  	vm5 =	vgt.s32 v53, v7  }
0xe9: {  	v6 =	vsel vm5, v6, v9;
	v8 =	vsel vm5, v9, v8  }
0xea: {  	v9 =	vadd.s32 v6, v8  }
0xeb: {  	v9 =	vshrl.u32 v9, $0x1;
	_ =	sdelay $0x4  }
0xec: {  	v54 =	vld.idx.msk [tilespmem:v9+s6+$0x0], $0xffff;
	_ =	sdelay $0x4  }
0xed: {  	vm6 =	vgt.s32 v54, v7  }
0xee: {  	v6 =	vsel vm6, v6, v9;
	v8 =	vsel vm6, v9, v8  }
0xef: {  	v9 =	vadd.s32 v6, v8  }
0xf0: {  	v9 =	vshrl.u32 v9, $0x1;
	_ =	sdelay $0x4  }
0xf1: {  	v55 =	vld.idx.msk [tilespmem:v9+s6+$0x0], $0xffff;
	_ =	sdelay $0x4  }
0xf2: {  	vm7 =	vgt.s32 v55, v7  }
0xf3: {  	v6 =	vsel vm7, v6, v9;
	v8 =	vsel vm7, v9, v8  }
0xf4: {  	v9 =	vadd.s32 v6, v8  }
0xf5: {  	v9 =	vshrl.u32 v9, $0x1;
	_ =	sdelay $0x4  }
0xf6: {  	v56 =	vld.idx.msk [tilespmem:v9+s6+$0x0], $0xffff;
	_ =	sdelay $0x4  }
0xf7: {  	vm8 =	vgt.s32 v56, v7  }
0xf8: {  	v6 =	vsel vm8, v6, v9;
	v8 =	vsel vm8, v9, v8  }
0xf9: {  	v9 =	vadd.s32 v6, v8  }
0xfa: {  	v9 =	vshrl.u32 v9, $0x1;
	_ =	sdelay $0x4  }
0xfb: {  	v57 =	vld.idx.msk [tilespmem:v9+s6+$0x0], $0xffff;
	_ =	sdelay $0x4  }
0xfc: {  	vm9 =	vgt.s32 v57, v7  }
0xfd: {  	v6 =	vsel vm9, v6, v9;
	v8 =	vsel vm9, v9, v8  }
0xfe: {  	v9 =	vadd.s32 v6, v8  }
0xff: {  	v9 =	vshrl.u32 v9, $0x1;
	_ =	sdelay $0x4  }
0x100: {  	v58 =	vld.idx.msk [tilespmem:v9+s6+$0x0], $0xffff;
	_ =	sdelay $0x4  }
0x101: {  	vm10 =	vgt.s32 v58, v7  }
0x102: {  	v6 =	vsel vm10, v6, v9;
	v8 =	vsel vm10, v9, v8  }
0x103: {  	v9 =	vadd.s32 v6, v8  }
0x104: {  	v9 =	vshrl.u32 v9, $0x1;
	_ =	sdelay $0x4  }
0x105: {  	v59 =	vld.idx.msk [tilespmem:v9+s6+$0x0], $0xffff;
	_ =	sdelay $0x4  }
0x106: {  	vm11 =	vgt.s32 v59, v7  }
0x107: {  	v6 =	vsel vm11, v6, v9;
	v8 =	vsel vm11, v9, v8  }
0x108: {  	v9 =	vadd.s32 v6, v8  }
0x109: {  	v9 =	vshrl.u32 v9, $0x1;
	_ =	sdelay $0x4  }
0x10a: {  	v60 =	vld.idx.msk [tilespmem:v9+s6+$0x0], $0xffff;
	_ =	sdelay $0x4  }
0x10b: {  	vm12 =	vgt.s32 v60, v7  }
0x10c: {  	v6 =	vsel vm12, v6, v9;
	v8 =	vsel vm12, v9, v8  }
0x10d: {  	v9 =	vadd.s32 v6, v8  }
0x10e: {  	v9 =	vshrl.u32 v9, $0x1;
	_ =	sdelay $0x4  }
0x10f: {  	v61 =	vld.idx.msk [tilespmem:v9+s6+$0x0], $0xffff;
	_ =	sdelay $0x4  }
0x110: {  	vm13 =	vgt.s32 v61, v7  }
0x111: {  	v6 =	vsel vm13, v6, v9;
	v8 =	vsel vm13, v9, v8  }
0x112: {  	v9 =	vadd.s32 v6, v8  }
0x113: {  	v9 =	vshrl.u32 v9, $0x1;
	_ =	sdelay $0x4  }
0x114: {  	v62 =	vld.idx.msk [tilespmem:v9+s6+$0x0], $0xffff;
	_ =	sdelay $0x4  }
0x115: {  	vm14 =	vgt.s32 v62, v7  }
0x116: {  	v6 =	vsel vm14, v6, v9;
	v8 =	vsel vm14, v9, v8  }
0x117: {  	v8 =	vadd.s32 v6, v8  }
0x118: {  	v8 =	vshrl.u32 v8, $0x1;
	_ =	sdelay $0x4  }
0x119: {  	v63 =	vld.idx.msk [tilespmem:v8+s6+$0x0], $0xffff;
	_ =	sdelay $0x1  }
0x11a: {  	p2 =	sne.s32 s19, $0x1C0  }
.Ltmp3:
0x11b: {  	_ = 	snop;
	(pc) =	sbr.rel @p2 .LBB2_5-.Ltmp3, $4  }
0x11c: {  	_ = 	snop  }
0x11d: {  	vm15 =	vgt.s32 v63, v7  }
0x11e: {  	s23 =	sshra.s32 s19, $0x2;
	v6 =	vsel vm15, v6, v8  }
0x11f: {  	s20 =	sadd.s32 $0x10, s20;
	s19 =	sadd.s32 $0x40, s19;
	[tilespmem:s23+$0x2880] =	vst v6  }
0x120: {  	p2 =	sne.s32 s24, $0x26  }
.Ltmp4:
0x121: {  	_ = 	snop;
	(pc) =	sbr.rel @p2 .LBB2_8-.Ltmp4, $4  }
0x122: {  	_ = 	snop  }
0x123: {  	_ =	swait.ge [sflag:s8], $0x4000  }
0x124: {  	[sflag:s8] =	ssyncset.done $0x0  }
0x125: {  	[sflag:s8] =	ssyncadd.s32 $0xFFFFC000  }
.Ltmp5:
0x126: {  	(pc) =	sbr.rel .LBB2_9-.Ltmp5, $2  }
0x127: {  	_ =	sdelay $0x2  }
0x128: {  	[spmem:s5] =	stream.indirect.scatter.add.f32 [tilespmem:s4], [sflag:$0x6], $0x80, s9, s2, $0xb8;
	[tilespmem:$0x1EB00] =	vst v63  }
.LBB2_8:
0x129: {  	s19 =	sadd.s32 s18, s21  }
.Ltmp6:
0x12a: {  	s19 =	sshrl.u32 s19, $0x3;
	(pc) =	sbr.rel @p1 .LBB2_10-.Ltmp6, $4  }
0x12b: {  	s19 =	sadd.s32 s3, s19  }
0x12c: {  	[tilespmem:s29], [sflag:$0x2] =	stream.linear.gather [hbm4b:s19+s6], $0x80, $0x38;
	[tilespmem:$0x1EB00] =	vst v63  }
0x12d: {  	_ = 	snop  }
0x12e: {  	[spmem:s5] =	stream.indirect.scatter.add.f32 [tilespmem:s4], [sflag:$0x6], $0x80, s9, s2, $0xb8;
	[tilespmem:$0x1EB00] =	vst v63  }
.LBB2_9:
0x12f: {  	_ =	swait.ge [sflag:s10], $0x4000  }
0x130: {  	[sflag:s10] =	ssyncset.done $0x0  }
0x131: {  	[sflag:s10] =	ssyncadd.s32 $0xFFFFC000  }
.LBB2_10:
0x132: {  	_ =	swait.ge [sflag:s12], $0x80  }
0x133: {  	[sflag:s12] =	ssyncset.done $0x0  }
0x134: {  	s20 =	simm.s32 $0x0;
	s19 =	smov.u32 s26;
	[sflag:s12] =	ssyncadd.s32 $0xFFFFFF80  }
0x135: {  	[tilespmem:s13], [sflag:$0x5] =	stream.indirect.gather [hbm4b:s1+s2], $0x80, s30, s2, $0xb8;
	[tilespmem:$0x1EB00] =	vst v63  }
.LBB2_11:
0x136: {  	v6 =	vld.idx.msk [tilespmem:v3+s6+$0x0], $0xffff;
	_ =	sdelay $0x3  }
0x137: {  	v7 =	vor.u32 s19, v0  }
0x138: {  	vm0 =	vgt.s32 v6, v7  }
0x139: {  	v6 =	vsel vm0, $0x9C4, v5;
	_ =	sdelay $0x4  }
0x13a: {  	v8 =	vld.idx.msk [tilespmem:v6+s6+$0x0], $0xffff;
	_ =	sdelay $0x4  }
0x13b: {  	v9 =	vsel vm0, $0x1388, v4;
	vm1 =	vgt.s32 v8, v7  }
0x13c: {  	v51 =	vsel vm0, $0x0, v3;
	v9 =	vsel vm1, v6, v9  }
0x13d: {  	v6 =	vsel vm1, v51, v6;
	v52 =	vadd.s32 $0xFFFFFFFF, v9  }
0x13e: {  	v8 =	vadd.s32 v52, v6  }
0x13f: {  	v8 =	vadd.s32 $0x1, v8  }
0x140: {  	v8 =	vshrl.u32 v8, $0x1;
	_ =	sdelay $0x4  }
0x141: {  	v10 =	vld.idx.msk [tilespmem:v8+s6+$0x0], $0xffff;
	_ =	sdelay $0x4  }
0x142: {  	vm4 =	vgt.s32 v10, v7  }
0x143: {  	v6 =	vsel vm4, v6, v8;
	v8 =	vsel vm4, v8, v9  }
0x144: {  	v9 =	vadd.s32 v6, v8  }
0x145: {  	v9 =	vshrl.u32 v9, $0x1;
	_ =	sdelay $0x4  }
0x146: {  	v53 =	vld.idx.msk [tilespmem:v9+s6+$0x0], $0xffff;
	_ =	sdelay $0x4  }
0x147: {  	vm5 =	vgt.s32 v53, v7  }
0x148: {  	v6 =	vsel vm5, v6, v9;
	v8 =	vsel vm5, v9, v8  }
0x149: {  	v9 =	vadd.s32 v6, v8  }
0x14a: {  	v9 =	vshrl.u32 v9, $0x1;
	_ =	sdelay $0x4  }
0x14b: {  	v54 =	vld.idx.msk [tilespmem:v9+s6+$0x0], $0xffff;
	_ =	sdelay $0x4  }
0x14c: {  	vm6 =	vgt.s32 v54, v7  }
0x14d: {  	v6 =	vsel vm6, v6, v9;
	v8 =	vsel vm6, v9, v8  }
0x14e: {  	v9 =	vadd.s32 v6, v8  }
0x14f: {  	v9 =	vshrl.u32 v9, $0x1;
	_ =	sdelay $0x4  }
0x150: {  	v55 =	vld.idx.msk [tilespmem:v9+s6+$0x0], $0xffff;
	_ =	sdelay $0x4  }
0x151: {  	vm7 =	vgt.s32 v55, v7  }
0x152: {  	v6 =	vsel vm7, v6, v9;
	v8 =	vsel vm7, v9, v8  }
0x153: {  	v9 =	vadd.s32 v6, v8  }
0x154: {  	v9 =	vshrl.u32 v9, $0x1;
	_ =	sdelay $0x4  }
0x155: {  	v56 =	vld.idx.msk [tilespmem:v9+s6+$0x0], $0xffff;
	_ =	sdelay $0x4  }
0x156: {  	vm8 =	vgt.s32 v56, v7  }
0x157: {  	v6 =	vsel vm8, v6, v9;
	v8 =	vsel vm8, v9, v8  }
0x158: {  	v9 =	vadd.s32 v6, v8  }
0x159: {  	v9 =	vshrl.u32 v9, $0x1;
	_ =	sdelay $0x4  }
0x15a: {  	v57 =	vld.idx.msk [tilespmem:v9+s6+$0x0], $0xffff;
	_ =	sdelay $0x4  }
0x15b: {  	vm9 =	vgt.s32 v57, v7  }
0x15c: {  	v6 =	vsel vm9, v6, v9;
	v8 =	vsel vm9, v9, v8  }
0x15d: {  	v9 =	vadd.s32 v6, v8  }
0x15e: {  	v9 =	vshrl.u32 v9, $0x1;
	_ =	sdelay $0x4  }
0x15f: {  	v58 =	vld.idx.msk [tilespmem:v9+s6+$0x0], $0xffff;
	_ =	sdelay $0x4  }
0x160: {  	vm10 =	vgt.s32 v58, v7  }
0x161: {  	v6 =	vsel vm10, v6, v9;
	v8 =	vsel vm10, v9, v8  }
0x162: {  	v9 =	vadd.s32 v6, v8  }
0x163: {  	v9 =	vshrl.u32 v9, $0x1;
	_ =	sdelay $0x4  }
0x164: {  	v59 =	vld.idx.msk [tilespmem:v9+s6+$0x0], $0xffff;
	_ =	sdelay $0x4  }
0x165: {  	vm11 =	vgt.s32 v59, v7  }
0x166: {  	v6 =	vsel vm11, v6, v9;
	v8 =	vsel vm11, v9, v8  }
0x167: {  	v9 =	vadd.s32 v6, v8  }
0x168: {  	v9 =	vshrl.u32 v9, $0x1;
	_ =	sdelay $0x4  }
0x169: {  	v60 =	vld.idx.msk [tilespmem:v9+s6+$0x0], $0xffff;
	_ =	sdelay $0x4  }
0x16a: {  	vm12 =	vgt.s32 v60, v7  }
0x16b: {  	v6 =	vsel vm12, v6, v9;
	v8 =	vsel vm12, v9, v8  }
0x16c: {  	v9 =	vadd.s32 v6, v8  }
0x16d: {  	v9 =	vshrl.u32 v9, $0x1;
	_ =	sdelay $0x4  }
0x16e: {  	v61 =	vld.idx.msk [tilespmem:v9+s6+$0x0], $0xffff;
	_ =	sdelay $0x4  }
0x16f: {  	vm13 =	vgt.s32 v61, v7  }
0x170: {  	v6 =	vsel vm13, v6, v9;
	v8 =	vsel vm13, v9, v8  }
0x171: {  	v9 =	vadd.s32 v6, v8  }
0x172: {  	v9 =	vshrl.u32 v9, $0x1;
	_ =	sdelay $0x4  }
0x173: {  	v62 =	vld.idx.msk [tilespmem:v9+s6+$0x0], $0xffff;
	_ =	sdelay $0x4  }
0x174: {  	vm14 =	vgt.s32 v62, v7  }
0x175: {  	v6 =	vsel vm14, v6, v9;
	v8 =	vsel vm14, v9, v8  }
0x176: {  	v8 =	vadd.s32 v6, v8  }
0x177: {  	v8 =	vshrl.u32 v8, $0x1;
	_ =	sdelay $0x4  }
0x178: {  	v63 =	vld.idx.msk [tilespmem:v8+s6+$0x0], $0xffff;
	_ =	sdelay $0x1  }
0x179: {  	p1 =	sne.s32 s20, $0x1C0  }
.Ltmp7:
0x17a: {  	_ = 	snop;
	(pc) =	sbr.rel @p1 .LBB2_11-.Ltmp7, $4  }
0x17b: {  	_ = 	snop  }
0x17c: {  	vm15 =	vgt.s32 v63, v7  }
0x17d: {  	s23 =	sshra.s32 s20, $0x2;
	v6 =	vsel vm15, v6, v8  }
0x17e: {  	s19 =	sadd.s32 $0x10, s19;
	s20 =	sadd.s32 $0x40, s20;
	[tilespmem:s23+$0x2900] =	vst v6  }
0x17f: {  	p1 =	seq.s32 s24, $0x26  }
.Ltmp8:
0x180: {  	_ = 	snop;
	(pc) =	sbr.rel @p1 .LBB2_14-.Ltmp8, $4  }
0x181: {  	_ = 	snop  }
0x182: {  	_ =	swait.ge [sflag:s14], $0x4000  }
0x183: {  	[sflag:s14] =	ssyncset.done $0x0  }
0x184: {  	[sflag:s14] =	ssyncadd.s32 $0xFFFFC000  }
0x185: {  	s18 =	sadd.s32 s18, s22  }
.Ltmp9:
0x186: {  	s18 =	sshrl.u32 s18, $0x3;
	(pc) =	sbr.rel .LBB2_4-.Ltmp9, $4  }
0x187: {  	s18 =	sadd.s32 s3, s18  }
0x188: {  	[tilespmem:s30], [sflag:$0x3] =	stream.linear.gather [hbm4b:s18+s6], $0x80, $0x38;
	[tilespmem:$0x1EB00] =	vst v63  }
0x189: {  	s24 =	sadd.s32 $0x1, s24;
	s25 =	sadd.s32 $0x100, s25;
	s26 =	sadd.s32 $0x100, s26  }
0x18a: {  	[spmem:s5] =	stream.indirect.scatter.add.f32 [tilespmem:s13], [sflag:$0x7], $0x80, s15, s2, $0xb8;
	[tilespmem:$0x1EB00] =	vst v63  }
.LBB2_15:
0x18b: {  	_ =	sfence.sel $0x180000  }
0x18c: {  	[bflag:$0x0] =	sbarrier.arrive $0xFFFF  }
0x18d: {  	_ =	strace $0x90000047  }
0x18e: {  	s0 =	stileid.u32;
	[bflag:$0x2] =	sbarrier.arrive $0xFFFF  }
0x18f: {  	p0 =	sne.s32 s0, $0x0;
	s0 =	rddreg [dreg:$0x5]  }
0x190: {  	s0 =	sadd.s32 @!p0 $0x100000, s0  }
0x191: {  	[sflag:s0] =	ssyncadd.tile.s32 @!p0 $0x1;
	_ =	shalt  }
.Lfunc_end2:
_tile_overlayer_lowered:
.L_overlay_start_2:
0x192: {  	(tag) =	ssettag $0x2  }
0x193: {  	s0 =	rddreg [dreg:$0x0];
	s2 =	stileid.u32  }
0x194: {  	s1 =	rddreg [dreg:$0x1];
	p0 =	sne.s32 s2, $0x0  }
0x195: {  	s3 =	rddreg [dreg:$0x2];
	[bflag:$0x3] =	sbarrier.arrive $0xFFFF;
	s2 =	simm.s32 @!p0 $0x1C08  }
0x196: {  	[timem:s3], [sflag:s2] =	dma.local @!p0 [hbm:s0], s1  }
0x197: {  	s0 =	simm.s32 @!p0 $0x8  }
0x198: {  	_ =	swait.ge @!p0 [sflag:s0], s1  }
0x199: {  	s1 =	ssub.s32 @!p0 $0x0, s1;
	[sflag:s0] =	ssyncset.done @!p0 $0x0  }
0x19a: {  	[sflag:s0] =	ssyncadd.s32 @!p0 s1  }
0x19b: {  	[bflag:$0x3] =	sbarrier.arrive $0xFFFF  }
0x19c: {  	_ =	shalt  }

</sc_bundles>
